<compile_context>
chip_gen: v7x
topology: tpu7x:2x2x1
jax: 0.10.2.dev20260603
libtpu: 0.0.44.dev20260713+nightly
codegen_flags: <defaults>
</compile_context>

<pallas_src>
import jax
import jax.numpy as jnp
from jax import lax
from jax.experimental import pallas as pl
from jax.experimental.pallas import tpu as pltpu
from jax.experimental.pallas import tpu_sc as plsc

N = 10000
E = 320000
D = 128
R2 = 16
NB = 4

TB = 1000
NBLK = N // TB

N_PAD = 10240
NCORES = 2
NSUB = 16
NW = NCORES * NSUB
CB = 128
CE = 80
NBUF = 2
E_PAD = NW * CE * CB
ROWS_PER_SUB = N_PAD // NSUB


def _pre_body(wc_ref, w_ref, x_ref, re_ref, wrw_ref, wrb_ref, y_ref, reo_ref):
    i = pl.program_id(0)
    r = pl.program_id(1)
    rw = (wc_ref[r, 0] * w_ref[0] + wc_ref[r, 1] * w_ref[1]
          + wc_ref[r, 2] * w_ref[2] + wc_ref[r, 3] * w_ref[3])
    y_ref[...] = jnp.dot(x_ref[...].astype(jnp.bfloat16),
                         rw.astype(jnp.bfloat16),
                         preferred_element_type=jnp.float32)

    @pl.when((i == 0) & (r == 0))
    def _():
        reo_ref[...] = lax.dot_general(
            re_ref[...], wrw_ref[...], (((1,), (1,)), ((), ())),
            preferred_element_type=jnp.float32) + wrb_ref[...]


def _sc_body(y_ref, idx_ref, acc0_ref, acc1_ref, deg0_ref, deg1_ref,
             ib0, ib1, rows0, rows1, ones_v, zflat_v, acc_sh, deg_sh,
             isem0, isem1, gsem0, gsem1):
    cid = lax.axis_index("c")
    sid = lax.axis_index("s")
    wid = cid * NSUB + sid
    base = sid * ROWS_PER_SUB
    sets = ((ib0, rows0, isem0, gsem0), (ib1, rows1, isem1, gsem1))

    zvec = jnp.zeros((16,), jnp.float32)
    onev = jnp.ones((16,), jnp.float32)
    for g in range(CB // 16):
        ones_v[pl.ds(g * 16, 16)] = onev

    def zfill(rr, _):
        for g in range(D // 16):
            rows0[rr, pl.ds(g * 16, 16)] = zvec
        return 0

    lax.fori_loop(0, CB, zfill, 0)

    def zflat(k, _):
        zflat_v[pl.ds(k * 16, 16)] = zvec
        return 0

    lax.fori_loop(0, ROWS_PER_SUB // 16, zflat, 0)

    for t in range(ROWS_PER_SUB // CB):
        pltpu.sync_copy(rows0, acc_sh.at[pl.ds(base + t * CB, CB)])
    pltpu.sync_copy(zflat_v, deg_sh.at[pl.ds(base, ROWS_PER_SUB)])
    plsc.subcore_barrier()

    def _idx_start(j, s):
        ib, _, isem, _ = sets[s]
        pltpu.make_async_copy(idx_ref.at[wid * CE + j], ib, isem).start()

    def _idx_wait(s):
        ib, _, isem, _ = sets[s]
        pltpu.make_async_copy(idx_ref.at[wid], ib, isem).wait()

    def _gather_start(s):
        ib, rows, _, gsem = sets[s]
        pltpu.make_async_copy(y_ref.at[ib.at[0]], rows, gsem).start()

    def _gather_wait_scatter(s):
        ib, rows, _, gsem = sets[s]
        pltpu.make_async_copy(y_ref.at[ib.at[0]], rows, gsem).wait()
        pltpu.sync_copy(rows, acc_sh.at[ib.at[1]], add=True)
        pltpu.sync_copy(ones_v, deg_sh.at[ib.at[1]], add=True)

    for t in range(NBUF):
        _idx_start(t, t)
    for t in range(NBUF - 1):
        _idx_wait(t)
        _gather_start(t)

    def body(k, _):
        for t in range(NBUF):
            j = k * NBUF + t
            s_next = (t + NBUF - 1) % NBUF

            @pl.when(j + NBUF - 1 < CE)
            def _():
                _idx_wait(s_next)
                _gather_start(s_next)

            _gather_wait_scatter(t)

            @pl.when(j + NBUF < CE)
            def _():
                _idx_start(j + NBUF, t)
        return 0

    lax.fori_loop(0, CE // NBUF, body, 0)

    plsc.subcore_barrier()

    @pl.when(cid == 0)
    def _():
        pltpu.sync_copy(acc_sh.at[pl.ds(base, ROWS_PER_SUB)],
                        acc0_ref.at[pl.ds(base, ROWS_PER_SUB)])
        pltpu.sync_copy(deg_sh.at[pl.ds(base, ROWS_PER_SUB)],
                        deg0_ref.at[pl.ds(base, ROWS_PER_SUB)])

    @pl.when(cid == 1)
    def _():
        pltpu.sync_copy(acc_sh.at[pl.ds(base, ROWS_PER_SUB)],
                        acc1_ref.at[pl.ds(base, ROWS_PER_SUB)])
        pltpu.sync_copy(deg_sh.at[pl.ds(base, ROWS_PER_SUB)],
                        deg1_ref.at[pl.ds(base, ROWS_PER_SUB)])


def _post_body(acc0_ref, acc1_ref, dcol_ref, x_ref, w_ref, out_ref):
    a = acc0_ref[...] + acc1_ref[...]
    alpha = 1.0 / jnp.maximum(dcol_ref[...], 1.0)
    xb = x_ref[...]
    h = a * alpha + jnp.dot(xb.astype(jnp.bfloat16),
                            w_ref[...].astype(jnp.bfloat16),
                            preferred_element_type=jnp.float32)
    out_ref[:, :D] = xb
    out_ref[:, D:] = h


def kernel(x, edge_index, edge_type, rel_emb, weight, w_comp,
           self_loop_weight, W_R_w, W_R_b):
    src = edge_index[0]
    dst = edge_index[1]
    gidx = edge_type.astype(jnp.int32) * N + src
    gidx_p = jnp.pad(gidx, (0, E_PAD - E)).reshape(NW * CE, 1, CB)
    dst_p = jnp.pad(dst, (0, E_PAD - E),
                    constant_values=N).reshape(NW * CE, 1, CB)
    idx2 = jnp.concatenate([gidx_p, dst_p], axis=1)

    y, rel_emb_new = pl.pallas_call(
        _pre_body,
        grid=(NBLK, R2),
        in_specs=[
            pl.BlockSpec(memory_space=pltpu.SMEM),
            pl.BlockSpec((NB, D, D), lambda i, r: (0, 0, 0)),
            pl.BlockSpec((TB, D), lambda i, r: (i, 0)),
            pl.BlockSpec((R2, D), lambda i, r: (0, 0)),
            pl.BlockSpec((D, D), lambda i, r: (0, 0)),
            pl.BlockSpec((1, D), lambda i, r: (0, 0)),
        ],
        out_specs=[
            pl.BlockSpec((TB, D), lambda i, r: (r * NBLK + i, 0)),
            pl.BlockSpec((R2, D), lambda i, r: (0, 0)),
        ],
        out_shape=[
            jax.ShapeDtypeStruct((R2 * N, D), jnp.float32),
            jax.ShapeDtypeStruct((R2, D), jnp.float32),
        ],
    )(w_comp, weight, x, rel_emb, W_R_w, W_R_b.reshape(1, D))

    mesh = plsc.VectorSubcoreMesh(core_axis_name="c", subcore_axis_name="s",
                                  num_cores=NCORES, num_subcores=NSUB)
    acc0, acc1, deg0, deg1 = pl.kernel(
        _sc_body,
        out_type=[jax.ShapeDtypeStruct((N_PAD, D), jnp.float32),
                  jax.ShapeDtypeStruct((N_PAD, D), jnp.float32),
                  jax.ShapeDtypeStruct((N_PAD,), jnp.float32),
                  jax.ShapeDtypeStruct((N_PAD,), jnp.float32)],
        mesh=mesh,
        compiler_params=pltpu.CompilerParams(use_tc_tiling_on_sc=False),
        scratch_types=(
            [pltpu.VMEM((2, CB), jnp.int32) for _ in range(NBUF)]
            + [pltpu.VMEM((CB, D), jnp.float32) for _ in range(NBUF)]
            + [pltpu.VMEM((CB,), jnp.float32),
               pltpu.VMEM((ROWS_PER_SUB,), jnp.float32),
               pltpu.VMEM_SHARED((N_PAD, D), jnp.float32),
               pltpu.VMEM_SHARED((N_PAD,), jnp.float32)]
            + [pltpu.SemaphoreType.DMA for _ in range(2 * NBUF)]
        ),
    )(y, idx2)

    dcol = (deg0 + deg1).reshape(N_PAD, 1)

    repr_ = pl.pallas_call(
        _post_body,
        grid=(NBLK,),
        in_specs=[
            pl.BlockSpec((TB, D), lambda i: (i, 0)),
            pl.BlockSpec((TB, D), lambda i: (i, 0)),
            pl.BlockSpec((TB, 1), lambda i: (i, 0)),
            pl.BlockSpec((TB, D), lambda i: (i, 0)),
            pl.BlockSpec((D, D), lambda i: (0, 0)),
        ],
        out_specs=pl.BlockSpec((TB, 2 * D), lambda i: (i, 0)),
        out_shape=jax.ShapeDtypeStruct((N, 2 * D), jnp.float32),
    )(acc0, acc1, dcol, x, self_loop_weight)

    return rel_emb_new, repr_

# --- scband reference (transcript-rebuilt; emitter-appended) ---
"""Pipeline reference for scband-rgcnlayer-69415261438025 (READ-ONLY COPY).

The authoritative reference and input builder live on the scoring server;
editing this copy changes nothing except your own understanding.
"""

import jax, jax.numpy as jnp
import numpy as np

N = 10000
E = 320000
IN_DIM = 128
OUT_DIM = 128
REL_DIM = 128
NUM_RELS = 8
NUM_BASES = 4


def setup_inputs(seed: int = 0) -> dict:
    key = jax.random.key(seed)
    ks = jax.random.split(key, 10)
    x = jax.random.normal(ks[0], (N, IN_DIM), dtype=jnp.float32)
    edge_index = jax.random.randint(ks[1], (2, E), 0, N, dtype=jnp.int32)
    edge_type = jax.random.randint(ks[2], (E,), 0, NUM_RELS * 2, dtype=jnp.int32)
    rel_emb = jax.random.normal(ks[3], (NUM_RELS * 2, REL_DIM), dtype=jnp.float32)
    sc = float(1.0 / np.sqrt(IN_DIM))
    # xavier-uniform-like init for parameters
    weight = jax.random.uniform(ks[4], (NUM_BASES, IN_DIM, OUT_DIM), minval=-sc, maxval=sc, dtype=jnp.float32)
    w_comp = jax.random.uniform(ks[5], (NUM_RELS * 2, NUM_BASES), minval=-0.7, maxval=0.7, dtype=jnp.float32)
    self_loop_weight = jax.random.uniform(ks[6], (IN_DIM, OUT_DIM), minval=-sc, maxval=sc, dtype=jnp.float32)
    W_R_w = jax.random.uniform(ks[7], (REL_DIM, REL_DIM), minval=-sc, maxval=sc, dtype=jnp.float32)
    W_R_b = jnp.zeros((REL_DIM,), dtype=jnp.float32)
    return {
        "x": x,
        "edge_index": edge_index,
        "edge_type": edge_type,
        "rel_emb": rel_emb,
        "weight": weight,
        "w_comp": w_comp,
        "self_loop_weight": self_loop_weight,
        "W_R_w": W_R_w,
        "W_R_b": W_R_b,
    }


def reference(x, edge_index, edge_type, rel_emb, weight, w_comp, self_loop_weight, W_R_w, W_R_b):
    num_bases, in_dim, out_dim = weight.shape
    num_rels2 = w_comp.shape[0]
    n = x.shape[0]
    # rel_weight = w_comp @ weight.view(num_bases, in*out) -> [num_rels*2, in, out]
    rel_weight = jnp.matmul(w_comp, weight.reshape(num_bases, in_dim * out_dim)).reshape(num_rels2, in_dim, out_dim)
    src = edge_index[0]
    dst = edge_index[1]
    # in-degrees of destination nodes (g.in_degrees())
    in_deg = jnp.bincount(dst, length=n)
    # msg_func: per-edge w = rel_weight[type]; msg = src_feat @ w  (bmm)
    w = rel_weight[edge_type]                       # [E, in, out] gather
    src_feat = x[src]                               # [E, in] gather
    msg = jnp.einsum('ei,eio->eo', src_feat, w)     # [E, out]
    # alpha = 1 / in_degree(dst); aggregator: nei_msg = sum_e alpha_e * msg_e
    alpha = 1.0 / jnp.maximum(in_deg, 1).astype(jnp.float32)
    nei_msg = jax.ops.segment_sum(msg, dst, num_segments=n) * alpha[:, None]
    # curr_emb = dst_feat @ self_loop_weight (same for all edges of a node)
    curr_emb = x @ self_loop_weight
    h = nei_msg + curr_emb                          # Aggregator.update_embedding; no bias/activation
    # edge_update: rel_emb = W_R(rel_emb)
    rel_emb_new = rel_emb @ W_R_w.T + W_R_b
    # is_input_layer=True: repr = concat([feat, h], dim=1)
    repr_ = jnp.concatenate([x, h], axis=1)
    return rel_emb_new, repr_

if __name__ == "__main__":
    import jax
    _d = setup_inputs()
    print(jax.jit(kernel)(*tuple(_d.values())))

</pallas_src>

<mosaic_0001>
#map = affine_map<(d0, d1) -> (0, 0)>
#map1 = affine_map<(d0, d1) -> (0, 0, 0)>
#map2 = affine_map<(d0, d1) -> (0)>
module attributes {stable_mosaic.version = 14 : i64} {
  func.func @_sc_body(%arg0: i32, %arg1: i32, %arg2: memref<160000x128xf32, #tpu.memory_space<hbm>>, %arg3: memref<2560x2x128xi32, #tpu.memory_space<hbm>>, %arg4: memref<10240x128xf32, #tpu.memory_space<hbm>>, %arg5: memref<10240x128xf32, #tpu.memory_space<hbm>>, %arg6: memref<10240xf32, #tpu.memory_space<hbm>>, %arg7: memref<10240xf32, #tpu.memory_space<hbm>>, %arg8: memref<2x128xi32, #tpu.memory_space<vmem>>, %arg9: memref<2x128xi32, #tpu.memory_space<vmem>>, %arg10: memref<128x128xf32, #tpu.memory_space<vmem>>, %arg11: memref<128x128xf32, #tpu.memory_space<vmem>>, %arg12: memref<128xf32, #tpu.memory_space<vmem>>, %arg13: memref<640xf32, #tpu.memory_space<vmem>>, %arg14: memref<10240x128xf32, #tpu.memory_space<vmem_shared>>, %arg15: memref<10240xf32, #tpu.memory_space<vmem_shared>>, %arg16: memref<!tpu.dma_semaphore, #tpu.memory_space<semaphore_mem>>, %arg17: memref<!tpu.dma_semaphore, #tpu.memory_space<semaphore_mem>>, %arg18: memref<!tpu.dma_semaphore, #tpu.memory_space<semaphore_mem>>, %arg19: memref<!tpu.dma_semaphore, #tpu.memory_space<semaphore_mem>>) attributes {dimension_semantics = [#tpu.dimension_semantics<core_parallel>, #tpu.dimension_semantics<subcore_parallel>], iteration_bounds = array<i64: 2, 16>, scalar_prefetch = 0 : i64, scratch_operands = 12 : i64, tpu.core_type = #tpu.core_type<sc_vector_subcore>, window_params = [{transform_indices = #map}, {transform_indices = #map1}, {transform_indices = #map}, {transform_indices = #map}, {transform_indices = #map2}, {transform_indices = #map2}]} {
    %mul3A = arith.constant 16 : i32
    %mul3A_0 = arith.muli %arg0, %mul3A : i32
    %add3A = arith.addi %mul3A_0, %arg1 : i32
    %mul3A_1 = arith.constant 640 : i32
    %mul3A_2 = arith.muli %arg1, %mul3A_1 : i32
    %broadcast_in_dim3A = arith.constant 0.000000e+00 : f32
    %broadcast_in_dim3A_3 = vector.broadcast %broadcast_in_dim3A : f32 to vector<16xf32>
    %broadcast_in_dim3A_4 = arith.constant 1.000000e+00 : f32
    %broadcast_in_dim3A_5 = vector.broadcast %broadcast_in_dim3A_4 : f32 to vector<16xf32>
    %swap3A = arith.constant 0 : index
    %swap3A_6 = tpu.vector_load %arg12[%swap3A] {strides = array<i32>} : memref<128xf32, #tpu.memory_space<vmem>>, vector<16xf32>,
    %swap3A_7 = vector.shape_cast %swap3A_6 : vector<16xf32> to vector<16xf32>
    %swap3A_8 = vector.shape_cast %broadcast_in_dim3A_5 : vector<16xf32> to vector<16xf32>
    tpu.vector_store %arg12[%swap3A], %swap3A_8 {strides = array<i32>} : memref<128xf32, #tpu.memory_space<vmem>>, vector<16xf32>,
    %swap3A_9 = arith.constant 16 : index
    %swap3A_10 = tpu.vector_load %arg12[%swap3A_9] {strides = array<i32>} : memref<128xf32, #tpu.memory_space<vmem>>, vector<16xf32>,
    %swap3A_11 = vector.shape_cast %swap3A_10 : vector<16xf32> to vector<16xf32>
    %swap3A_12 = vector.shape_cast %broadcast_in_dim3A_5 : vector<16xf32> to vector<16xf32>
    tpu.vector_store %arg12[%swap3A_9], %swap3A_12 {strides = array<i32>} : memref<128xf32, #tpu.memory_space<vmem>>, vector<16xf32>,
    %swap3A_13 = arith.constant 32 : index
    %swap3A_14 = tpu.vector_load %arg12[%swap3A_13] {strides = array<i32>} : memref<128xf32, #tpu.memory_space<vmem>>, vector<16xf32>,
    %swap3A_15 = vector.shape_cast %swap3A_14 : vector<16xf32> to vector<16xf32>
    %swap3A_16 = vector.shape_cast %broadcast_in_dim3A_5 : vector<16xf32> to vector<16xf32>
    tpu.vector_store %arg12[%swap3A_13], %swap3A_16 {strides = array<i32>} : memref<128xf32, #tpu.memory_space<vmem>>, vector<16xf32>,
    %swap3A_17 = arith.constant 48 : index
    %swap3A_18 = tpu.vector_load %arg12[%swap3A_17] {strides = array<i32>} : memref<128xf32, #tpu.memory_space<vmem>>, vector<16xf32>,
    %swap3A_19 = vector.shape_cast %swap3A_18 : vector<16xf32> to vector<16xf32>
    %swap3A_20 = vector.shape_cast %broadcast_in_dim3A_5 : vector<16xf32> to vector<16xf32>
    tpu.vector_store %arg12[%swap3A_17], %swap3A_20 {strides = array<i32>} : memref<128xf32, #tpu.memory_space<vmem>>, vector<16xf32>,
    %swap3A_21 = arith.constant 64 : index
    %swap3A_22 = tpu.vector_load %arg12[%swap3A_21] {strides = array<i32>} : memref<128xf32, #tpu.memory_space<vmem>>, vector<16xf32>,
    %swap3A_23 = vector.shape_cast %swap3A_22 : vector<16xf32> to vector<16xf32>
    %swap3A_24 = vector.shape_cast %broadcast_in_dim3A_5 : vector<16xf32> to vector<16xf32>
    tpu.vector_store %arg12[%swap3A_21], %swap3A_24 {strides = array<i32>} : memref<128xf32, #tpu.memory_space<vmem>>, vector<16xf32>,
    %swap3A_25 = arith.constant 80 : index
    %swap3A_26 = tpu.vector_load %arg12[%swap3A_25] {strides = array<i32>} : memref<128xf32, #tpu.memory_space<vmem>>, vector<16xf32>,
    %swap3A_27 = vector.shape_cast %swap3A_26 : vector<16xf32> to vector<16xf32>
    %swap3A_28 = vector.shape_cast %broadcast_in_dim3A_5 : vector<16xf32> to vector<16xf32>
    tpu.vector_store %arg12[%swap3A_25], %swap3A_28 {strides = array<i32>} : memref<128xf32, #tpu.memory_space<vmem>>, vector<16xf32>,
    %swap3A_29 = arith.constant 96 : index
    %swap3A_30 = tpu.vector_load %arg12[%swap3A_29] {strides = array<i32>} : memref<128xf32, #tpu.memory_space<vmem>>, vector<16xf32>,
    %swap3A_31 = vector.shape_cast %swap3A_30 : vector<16xf32> to vector<16xf32>
    %swap3A_32 = vector.shape_cast %broadcast_in_dim3A_5 : vector<16xf32> to vector<16xf32>
    tpu.vector_store %arg12[%swap3A_29], %swap3A_32 {strides = array<i32>} : memref<128xf32, #tpu.memory_space<vmem>>, vector<16xf32>,
    %swap3A_33 = arith.constant 112 : index
    %swap3A_34 = tpu.vector_load %arg12[%swap3A_33] {strides = array<i32>} : memref<128xf32, #tpu.memory_space<vmem>>, vector<16xf32>,
    %swap3A_35 = vector.shape_cast %swap3A_34 : vector<16xf32> to vector<16xf32>
    %swap3A_36 = vector.shape_cast %broadcast_in_dim3A_5 : vector<16xf32> to vector<16xf32>
    tpu.vector_store %arg12[%swap3A_33], %swap3A_36 {strides = array<i32>} : memref<128xf32, #tpu.memory_space<vmem>>, vector<16xf32>,
    %scan3A = arith.constant 0 : i32
    %scan3A_37 = arith.constant 0 : i32
    %scan3A_38 = arith.constant 128 : i32
    %scan3A_39 = arith.addi %scan3A_37, %scan3A_38 : i32
    %scan3A_40 = arith.constant 1 : i32
    %scan3A_41 = scf.for %scan3A_112 = %scan3A_37 to %scan3A_39 step %scan3A_40 iter_args(%scan3A_113 = %scan3A) -> (i32)  : i32 {
      %swap3A_114 = arith.index_cast %scan3A_112 : i32 to index
      %swap3A_115 = arith.constant 0 : index
      %swap3A_116 = tpu.vector_load %arg10[%swap3A_114, %swap3A_115] {strides = array<i32>} : memref<128x128xf32, #tpu.memory_space<vmem>>, vector<1x16xf32>,
      %swap3A_117 = vector.shape_cast %swap3A_116 : vector<1x16xf32> to vector<16xf32>
      %swap3A_118 = vector.shape_cast %broadcast_in_dim3A_3 : vector<16xf32> to vector<1x16xf32>
      tpu.vector_store %arg10[%swap3A_114, %swap3A_115], %swap3A_118 {strides = array<i32>} : memref<128x128xf32, #tpu.memory_space<vmem>>, vector<1x16xf32>,
      %swap3A_119 = arith.index_cast %scan3A_112 : i32 to index
      %swap3A_120 = arith.constant 16 : index
      %swap3A_121 = tpu.vector_load %arg10[%swap3A_119, %swap3A_120] {strides = array<i32>} : memref<128x128xf32, #tpu.memory_space<vmem>>, vector<1x16xf32>,
      %swap3A_122 = vector.shape_cast %swap3A_121 : vector<1x16xf32> to vector<16xf32>
      %swap3A_123 = vector.shape_cast %broadcast_in_dim3A_3 : vector<16xf32> to vector<1x16xf32>
      tpu.vector_store %arg10[%swap3A_119, %swap3A_120], %swap3A_123 {strides = array<i32>} : memref<128x128xf32, #tpu.memory_space<vmem>>, vector<1x16xf32>,
      %swap3A_124 = arith.index_cast %scan3A_112 : i32 to index
      %swap3A_125 = arith.constant 32 : index
      %swap3A_126 = tpu.vector_load %arg10[%swap3A_124, %swap3A_125] {strides = array<i32>} : memref<128x128xf32, #tpu.memory_space<vmem>>, vector<1x16xf32>,
      %swap3A_127 = vector.shape_cast %swap3A_126 : vector<1x16xf32> to vector<16xf32>
      %swap3A_128 = vector.shape_cast %broadcast_in_dim3A_3 : vector<16xf32> to vector<1x16xf32>
      tpu.vector_store %arg10[%swap3A_124, %swap3A_125], %swap3A_128 {strides = array<i32>} : memref<128x128xf32, #tpu.memory_space<vmem>>, vector<1x16xf32>,
      %swap3A_129 = arith.index_cast %scan3A_112 : i32 to index
      %swap3A_130 = arith.constant 48 : index
      %swap3A_131 = tpu.vector_load %arg10[%swap3A_129, %swap3A_130] {strides = array<i32>} : memref<128x128xf32, #tpu.memory_space<vmem>>, vector<1x16xf32>,
      %swap3A_132 = vector.shape_cast %swap3A_131 : vector<1x16xf32> to vector<16xf32>
      %swap3A_133 = vector.shape_cast %broadcast_in_dim3A_3 : vector<16xf32> to vector<1x16xf32>
      tpu.vector_store %arg10[%swap3A_129, %swap3A_130], %swap3A_133 {strides = array<i32>} : memref<128x128xf32, #tpu.memory_space<vmem>>, vector<1x16xf32>,
      %swap3A_134 = arith.index_cast %scan3A_112 : i32 to index
      %swap3A_135 = arith.constant 64 : index
      %swap3A_136 = tpu.vector_load %arg10[%swap3A_134, %swap3A_135] {strides = array<i32>} : memref<128x128xf32, #tpu.memory_space<vmem>>, vector<1x16xf32>,
      %swap3A_137 = vector.shape_cast %swap3A_136 : vector<1x16xf32> to vector<16xf32>
      %swap3A_138 = vector.shape_cast %broadcast_in_dim3A_3 : vector<16xf32> to vector<1x16xf32>
      tpu.vector_store %arg10[%swap3A_134, %swap3A_135], %swap3A_138 {strides = array<i32>} : memref<128x128xf32, #tpu.memory_space<vmem>>, vector<1x16xf32>,
      %swap3A_139 = arith.index_cast %scan3A_112 : i32 to index
      %swap3A_140 = arith.constant 80 : index
      %swap3A_141 = tpu.vector_load %arg10[%swap3A_139, %swap3A_140] {strides = array<i32>} : memref<128x128xf32, #tpu.memory_space<vmem>>, vector<1x16xf32>,
      %swap3A_142 = vector.shape_cast %swap3A_141 : vector<1x16xf32> to vector<16xf32>
      %swap3A_143 = vector.shape_cast %broadcast_in_dim3A_3 : vector<16xf32> to vector<1x16xf32>
      tpu.vector_store %arg10[%swap3A_139, %swap3A_140], %swap3A_143 {strides = array<i32>} : memref<128x128xf32, #tpu.memory_space<vmem>>, vector<1x16xf32>,
      %swap3A_144 = arith.index_cast %scan3A_112 : i32 to index
      %swap3A_145 = arith.constant 96 : index
      %swap3A_146 = tpu.vector_load %arg10[%swap3A_144, %swap3A_145] {strides = array<i32>} : memref<128x128xf32, #tpu.memory_space<vmem>>, vector<1x16xf32>,
      %swap3A_147 = vector.shape_cast %swap3A_146 : vector<1x16xf32> to vector<16xf32>
      %swap3A_148 = vector.shape_cast %broadcast_in_dim3A_3 : vector<16xf32> to vector<1x16xf32>
      tpu.vector_store %arg10[%swap3A_144, %swap3A_145], %swap3A_148 {strides = array<i32>} : memref<128x128xf32, #tpu.memory_space<vmem>>, vector<1x16xf32>,
      %swap3A_149 = arith.index_cast %scan3A_112 : i32 to index
      %swap3A_150 = arith.constant 112 : index
      %swap3A_151 = tpu.vector_load %arg10[%swap3A_149, %swap3A_150] {strides = array<i32>} : memref<128x128xf32, #tpu.memory_space<vmem>>, vector<1x16xf32>,
      %swap3A_152 = vector.shape_cast %swap3A_151 : vector<1x16xf32> to vector<16xf32>
      %swap3A_153 = vector.shape_cast %broadcast_in_dim3A_3 : vector<16xf32> to vector<1x16xf32>
      tpu.vector_store %arg10[%swap3A_149, %swap3A_150], %swap3A_153 {strides = array<i32>} : memref<128x128xf32, #tpu.memory_space<vmem>>, vector<1x16xf32>,
      %scan3A_154 = arith.constant 0 : i32
      scf.yield %scan3A_154 : i32
    }
    %scan3A_42 = arith.constant 128 : i32
    %scan3A_43 = arith.constant 0 : i32
    %scan3A_44 = arith.constant 0 : i32
    %scan3A_45 = arith.constant 40 : i32
    %scan3A_46 = arith.addi %scan3A_44, %scan3A_45 : i32
    %scan3A_47 = arith.constant 1 : i32
    %scan3A_48 = scf.for %scan3A_112 = %scan3A_44 to %scan3A_46 step %scan3A_47 iter_args(%scan3A_113 = %scan3A_43) -> (i32)  : i32 {
      %mul3A_114 = arith.constant 16 : i32
      %mul3A_115 = arith.muli %scan3A_112, %mul3A_114 : i32
      %swap3A_116 = arith.index_cast %mul3A_115 : i32 to index
      %swap3A_117 = tpu.vector_load %arg13[%swap3A_116] {strides = array<i32>} : memref<640xf32, #tpu.memory_space<vmem>>, vector<16xf32>,
      %swap3A_118 = vector.shape_cast %swap3A_117 : vector<16xf32> to vector<16xf32>
      %swap3A_119 = vector.shape_cast %broadcast_in_dim3A_3 : vector<16xf32> to vector<16xf32>
      tpu.vector_store %arg13[%swap3A_116], %swap3A_119 {strides = array<i32>} : memref<640xf32, #tpu.memory_space<vmem>>, vector<16xf32>,
      %scan3A_120 = arith.constant 0 : i32
      scf.yield %scan3A_120 : i32
    }
    %scan3A_49 = arith.constant 40 : i32
    %add3A_50 = arith.constant 0 : i32
    %add3A_51 = arith.addi %mul3A_2, %add3A_50 : i32
    "tpu.region"() ({
      %run_scoped3A = tpu.sem_alloc : memref<!tpu.dma_semaphore, #tpu.memory_space<semaphore_mem>>
      %dma_start3A_112 = arith.constant 0 : i32
      %dma_start3A_113 = tpu.memref_slice %arg14[%add3A_51, %dma_start3A_112] : memref<10240x128xf32, #tpu.memory_space<vmem_shared>> -> memref<128x128xf32, #tpu.memory_space<vmem_shared>>
      %dma_start3A_114 = arith.constant 0 : i32
      %dma_start3A_115 = tpu.memref_slice %arg14[%add3A_51, %dma_start3A_114] : memref<10240x128xf32, #tpu.memory_space<vmem_shared>> -> memref<128x128xf32, #tpu.memory_space<vmem_shared>>
      tpu.enqueue_dma source(%arg10 : memref<128x128xf32, #tpu.memory_space<vmem>>) target(%dma_start3A_115 : memref<128x128xf32, #tpu.memory_space<vmem_shared>>) target_semaphore(%run_scoped3A : memref<!tpu.dma_semaphore, #tpu.memory_space<semaphore_mem>>)
      %dma_wait3A_116 = arith.constant 0 : i32
      %dma_wait3A_117 = tpu.memref_slice %arg14[%add3A_51, %dma_wait3A_116] : memref<10240x128xf32, #tpu.memory_space<vmem_shared>> -> memref<128x128xf32, #tpu.memory_space<vmem_shared>>
      %dma_wait3A_118 = arith.constant 0 : i32
      %dma_wait3A_119 = tpu.memref_slice %arg14[%add3A_51, %dma_wait3A_118] : memref<10240x128xf32, #tpu.memory_space<vmem_shared>> -> memref<128x128xf32, #tpu.memory_space<vmem_shared>>
      tpu.wait_dma2 semaphore(%run_scoped3A : memref<!tpu.dma_semaphore, #tpu.memory_space<semaphore_mem>>) src(%arg10 : memref<128x128xf32, #tpu.memory_space<vmem>>) dst(%dma_wait3A_119 : memref<128x128xf32, #tpu.memory_space<vmem_shared>>)
      tpu.yield
    }) : () -> ()
    %add3A_52 = arith.constant 128 : i32
    %add3A_53 = arith.addi %mul3A_2, %add3A_52 : i32
    "tpu.region"() ({
      %run_scoped3A = tpu.sem_alloc : memref<!tpu.dma_semaphore, #tpu.memory_space<semaphore_mem>>
      %dma_start3A_112 = arith.constant 0 : i32
      %dma_start3A_113 = tpu.memref_slice %arg14[%add3A_53, %dma_start3A_112] : memref<10240x128xf32, #tpu.memory_space<vmem_shared>> -> memref<128x128xf32, #tpu.memory_space<vmem_shared>>
      %dma_start3A_114 = arith.constant 0 : i32
      %dma_start3A_115 = tpu.memref_slice %arg14[%add3A_53, %dma_start3A_114] : memref<10240x128xf32, #tpu.memory_space<vmem_shared>> -> memref<128x128xf32, #tpu.memory_space<vmem_shared>>
      tpu.enqueue_dma source(%arg10 : memref<128x128xf32, #tpu.memory_space<vmem>>) target(%dma_start3A_115 : memref<128x128xf32, #tpu.memory_space<vmem_shared>>) target_semaphore(%run_scoped3A : memref<!tpu.dma_semaphore, #tpu.memory_space<semaphore_mem>>)
      %dma_wait3A_116 = arith.constant 0 : i32
      %dma_wait3A_117 = tpu.memref_slice %arg14[%add3A_53, %dma_wait3A_116] : memref<10240x128xf32, #tpu.memory_space<vmem_shared>> -> memref<128x128xf32, #tpu.memory_space<vmem_shared>>
      %dma_wait3A_118 = arith.constant 0 : i32
      %dma_wait3A_119 = tpu.memref_slice %arg14[%add3A_53, %dma_wait3A_118] : memref<10240x128xf32, #tpu.memory_space<vmem_shared>> -> memref<128x128xf32, #tpu.memory_space<vmem_shared>>
      tpu.wait_dma2 semaphore(%run_scoped3A : memref<!tpu.dma_semaphore, #tpu.memory_space<semaphore_mem>>) src(%arg10 : memref<128x128xf32, #tpu.memory_space<vmem>>) dst(%dma_wait3A_119 : memref<128x128xf32, #tpu.memory_space<vmem_shared>>)
      tpu.yield
    }) : () -> ()
    %add3A_54 = arith.constant 256 : i32
    %add3A_55 = arith.addi %mul3A_2, %add3A_54 : i32
    "tpu.region"() ({
      %run_scoped3A = tpu.sem_alloc : memref<!tpu.dma_semaphore, #tpu.memory_space<semaphore_mem>>
      %dma_start3A_112 = arith.constant 0 : i32
      %dma_start3A_113 = tpu.memref_slice %arg14[%add3A_55, %dma_start3A_112] : memref<10240x128xf32, #tpu.memory_space<vmem_shared>> -> memref<128x128xf32, #tpu.memory_space<vmem_shared>>
      %dma_start3A_114 = arith.constant 0 : i32
      %dma_start3A_115 = tpu.memref_slice %arg14[%add3A_55, %dma_start3A_114] : memref<10240x128xf32, #tpu.memory_space<vmem_shared>> -> memref<128x128xf32, #tpu.memory_space<vmem_shared>>
      tpu.enqueue_dma source(%arg10 : memref<128x128xf32, #tpu.memory_space<vmem>>) target(%dma_start3A_115 : memref<128x128xf32, #tpu.memory_space<vmem_shared>>) target_semaphore(%run_scoped3A : memref<!tpu.dma_semaphore, #tpu.memory_space<semaphore_mem>>)
      %dma_wait3A_116 = arith.constant 0 : i32
      %dma_wait3A_117 = tpu.memref_slice %arg14[%add3A_55, %dma_wait3A_116] : memref<10240x128xf32, #tpu.memory_space<vmem_shared>> -> memref<128x128xf32, #tpu.memory_space<vmem_shared>>
      %dma_wait3A_118 = arith.constant 0 : i32
      %dma_wait3A_119 = tpu.memref_slice %arg14[%add3A_55, %dma_wait3A_118] : memref<10240x128xf32, #tpu.memory_space<vmem_shared>> -> memref<128x128xf32, #tpu.memory_space<vmem_shared>>
      tpu.wait_dma2 semaphore(%run_scoped3A : memref<!tpu.dma_semaphore, #tpu.memory_space<semaphore_mem>>) src(%arg10 : memref<128x128xf32, #tpu.memory_space<vmem>>) dst(%dma_wait3A_119 : memref<128x128xf32, #tpu.memory_space<vmem_shared>>)
      tpu.yield
    }) : () -> ()
    %add3A_56 = arith.constant 384 : i32
    %add3A_57 = arith.addi %mul3A_2, %add3A_56 : i32
    "tpu.region"() ({
      %run_scoped3A = tpu.sem_alloc : memref<!tpu.dma_semaphore, #tpu.memory_space<semaphore_mem>>
      %dma_start3A_112 = arith.constant 0 : i32
      %dma_start3A_113 = tpu.memref_slice %arg14[%add3A_57, %dma_start3A_112] : memref<10240x128xf32, #tpu.memory_space<vmem_shared>> -> memref<128x128xf32, #tpu.memory_space<vmem_shared>>
      %dma_start3A_114 = arith.constant 0 : i32
      %dma_start3A_115 = tpu.memref_slice %arg14[%add3A_57, %dma_start3A_114] : memref<10240x128xf32, #tpu.memory_space<vmem_shared>> -> memref<128x128xf32, #tpu.memory_space<vmem_shared>>
      tpu.enqueue_dma source(%arg10 : memref<128x128xf32, #tpu.memory_space<vmem>>) target(%dma_start3A_115 : memref<128x128xf32, #tpu.memory_space<vmem_shared>>) target_semaphore(%run_scoped3A : memref<!tpu.dma_semaphore, #tpu.memory_space<semaphore_mem>>)
      %dma_wait3A_116 = arith.constant 0 : i32
      %dma_wait3A_117 = tpu.memref_slice %arg14[%add3A_57, %dma_wait3A_116] : memref<10240x128xf32, #tpu.memory_space<vmem_shared>> -> memref<128x128xf32, #tpu.memory_space<vmem_shared>>
      %dma_wait3A_118 = arith.constant 0 : i32
      %dma_wait3A_119 = tpu.memref_slice %arg14[%add3A_57, %dma_wait3A_118] : memref<10240x128xf32, #tpu.memory_space<vmem_shared>> -> memref<128x128xf32, #tpu.memory_space<vmem_shared>>
      tpu.wait_dma2 semaphore(%run_scoped3A : memref<!tpu.dma_semaphore, #tpu.memory_space<semaphore_mem>>) src(%arg10 : memref<128x128xf32, #tpu.memory_space<vmem>>) dst(%dma_wait3A_119 : memref<128x128xf32, #tpu.memory_space<vmem_shared>>)
      tpu.yield
    }) : () -> ()
    %add3A_58 = arith.constant 512 : i32
    %add3A_59 = arith.addi %mul3A_2, %add3A_58 : i32
    "tpu.region"() ({
      %run_scoped3A = tpu.sem_alloc : memref<!tpu.dma_semaphore, #tpu.memory_space<semaphore_mem>>
      %dma_start3A_112 = arith.constant 0 : i32
      %dma_start3A_113 = tpu.memref_slice %arg14[%add3A_59, %dma_start3A_112] : memref<10240x128xf32, #tpu.memory_space<vmem_shared>> -> memref<128x128xf32, #tpu.memory_space<vmem_shared>>
      %dma_start3A_114 = arith.constant 0 : i32
      %dma_start3A_115 = tpu.memref_slice %arg14[%add3A_59, %dma_start3A_114] : memref<10240x128xf32, #tpu.memory_space<vmem_shared>> -> memref<128x128xf32, #tpu.memory_space<vmem_shared>>
      tpu.enqueue_dma source(%arg10 : memref<128x128xf32, #tpu.memory_space<vmem>>) target(%dma_start3A_115 : memref<128x128xf32, #tpu.memory_space<vmem_shared>>) target_semaphore(%run_scoped3A : memref<!tpu.dma_semaphore, #tpu.memory_space<semaphore_mem>>)
      %dma_wait3A_116 = arith.constant 0 : i32
      %dma_wait3A_117 = tpu.memref_slice %arg14[%add3A_59, %dma_wait3A_116] : memref<10240x128xf32, #tpu.memory_space<vmem_shared>> -> memref<128x128xf32, #tpu.memory_space<vmem_shared>>
      %dma_wait3A_118 = arith.constant 0 : i32
      %dma_wait3A_119 = tpu.memref_slice %arg14[%add3A_59, %dma_wait3A_118] : memref<10240x128xf32, #tpu.memory_space<vmem_shared>> -> memref<128x128xf32, #tpu.memory_space<vmem_shared>>
      tpu.wait_dma2 semaphore(%run_scoped3A : memref<!tpu.dma_semaphore, #tpu.memory_space<semaphore_mem>>) src(%arg10 : memref<128x128xf32, #tpu.memory_space<vmem>>) dst(%dma_wait3A_119 : memref<128x128xf32, #tpu.memory_space<vmem_shared>>)
      tpu.yield
    }) : () -> ()
    "tpu.region"() ({
      %run_scoped3A = tpu.sem_alloc : memref<!tpu.dma_semaphore, #tpu.memory_space<semaphore_mem>>
      %dma_start3A_112 = tpu.memref_slice %arg15[%mul3A_2] : memref<10240xf32, #tpu.memory_space<vmem_shared>> -> memref<640xf32, #tpu.memory_space<vmem_shared>>
      %dma_start3A_113 = tpu.memref_slice %arg15[%mul3A_2] : memref<10240xf32, #tpu.memory_space<vmem_shared>> -> memref<640xf32, #tpu.memory_space<vmem_shared>>
      tpu.enqueue_dma source(%arg13 : memref<640xf32, #tpu.memory_space<vmem>>) target(%dma_start3A_113 : memref<640xf32, #tpu.memory_space<vmem_shared>>) target_semaphore(%run_scoped3A : memref<!tpu.dma_semaphore, #tpu.memory_space<semaphore_mem>>)
      %dma_wait3A_114 = tpu.memref_slice %arg15[%mul3A_2] : memref<10240xf32, #tpu.memory_space<vmem_shared>> -> memref<640xf32, #tpu.memory_space<vmem_shared>>
      %dma_wait3A_115 = tpu.memref_slice %arg15[%mul3A_2] : memref<10240xf32, #tpu.memory_space<vmem_shared>> -> memref<640xf32, #tpu.memory_space<vmem_shared>>
      tpu.wait_dma2 semaphore(%run_scoped3A : memref<!tpu.dma_semaphore, #tpu.memory_space<semaphore_mem>>) src(%arg13 : memref<640xf32, #tpu.memory_space<vmem>>) dst(%dma_wait3A_115 : memref<640xf32, #tpu.memory_space<vmem_shared>>)
      tpu.yield
    }) : () -> ()
    %barrier3A = arith.constant 0 : index
    tpu.barrier barrier_id(%barrier3A)
    %mul3A_60 = arith.constant 80 : i32
    %mul3A_61 = arith.muli %add3A, %mul3A_60 : i32
    %add3A_62 = arith.constant 0 : i32
    %add3A_63 = arith.addi %mul3A_61, %add3A_62 : i32
    %dma_start3A = arith.constant 0 : i32
    %dma_start3A_64 = arith.constant 0 : i32
    %dma_start3A_65 = tpu.memref_slice %arg3[%add3A_63, %dma_start3A, %dma_start3A_64] : memref<2560x2x128xi32, #tpu.memory_space<hbm>> -> memref<1x2x128xi32, #tpu.memory_space<hbm>>
    %dma_start3A_66 = tpu.memref_squeeze %dma_start3A_65 : memref<1x2x128xi32, #tpu.memory_space<hbm>> -> memref<2x128xi32, #tpu.memory_space<hbm>>
    %dma_start3A_67 = arith.constant 0 : i32
    %dma_start3A_68 = arith.constant 0 : i32
    %dma_start3A_69 = tpu.memref_slice %arg3[%add3A_63, %dma_start3A_67, %dma_start3A_68] : memref<2560x2x128xi32, #tpu.memory_space<hbm>> -> memref<1x2x128xi32, #tpu.memory_space<hbm>>
    %dma_start3A_70 = tpu.memref_squeeze %dma_start3A_69 : memref<1x2x128xi32, #tpu.memory_space<hbm>> -> memref<2x128xi32, #tpu.memory_space<hbm>>
    tpu.enqueue_dma source(%dma_start3A_70 : memref<2x128xi32, #tpu.memory_space<hbm>>) target(%arg8 : memref<2x128xi32, #tpu.memory_space<vmem>>) target_semaphore(%arg16 : memref<!tpu.dma_semaphore, #tpu.memory_space<semaphore_mem>>)
    %mul3A_71 = arith.constant 80 : i32
    %mul3A_72 = arith.muli %add3A, %mul3A_71 : i32
    %add3A_73 = arith.constant 1 : i32
    %add3A_74 = arith.addi %mul3A_72, %add3A_73 : i32
    %dma_start3A_75 = arith.constant 0 : i32
    %dma_start3A_76 = arith.constant 0 : i32
    %dma_start3A_77 = tpu.memref_slice %arg3[%add3A_74, %dma_start3A_75, %dma_start3A_76] : memref<2560x2x128xi32, #tpu.memory_space<hbm>> -> memref<1x2x128xi32, #tpu.memory_space<hbm>>
    %dma_start3A_78 = tpu.memref_squeeze %dma_start3A_77 : memref<1x2x128xi32, #tpu.memory_space<hbm>> -> memref<2x128xi32, #tpu.memory_space<hbm>>
    %dma_start3A_79 = arith.constant 0 : i32
    %dma_start3A_80 = arith.constant 0 : i32
    %dma_start3A_81 = tpu.memref_slice %arg3[%add3A_74, %dma_start3A_79, %dma_start3A_80] : memref<2560x2x128xi32, #tpu.memory_space<hbm>> -> memref<1x2x128xi32, #tpu.memory_space<hbm>>
    %dma_start3A_82 = tpu.memref_squeeze %dma_start3A_81 : memref<1x2x128xi32, #tpu.memory_space<hbm>> -> memref<2x128xi32, #tpu.memory_space<hbm>>
    tpu.enqueue_dma source(%dma_start3A_82 : memref<2x128xi32, #tpu.memory_space<hbm>>) target(%arg9 : memref<2x128xi32, #tpu.memory_space<vmem>>) target_semaphore(%arg17 : memref<!tpu.dma_semaphore, #tpu.memory_space<semaphore_mem>>)
    %dma_wait3A = arith.constant 0 : i32
    %dma_wait3A_83 = arith.constant 0 : i32
    %dma_wait3A_84 = tpu.memref_slice %arg3[%add3A, %dma_wait3A, %dma_wait3A_83] : memref<2560x2x128xi32, #tpu.memory_space<hbm>> -> memref<1x2x128xi32, #tpu.memory_space<hbm>>
    %dma_wait3A_85 = tpu.memref_squeeze %dma_wait3A_84 : memref<1x2x128xi32, #tpu.memory_space<hbm>> -> memref<2x128xi32, #tpu.memory_space<hbm>>
    %dma_wait3A_86 = arith.constant 0 : i32
    %dma_wait3A_87 = arith.constant 0 : i32
    %dma_wait3A_88 = tpu.memref_slice %arg3[%add3A, %dma_wait3A_86, %dma_wait3A_87] : memref<2560x2x128xi32, #tpu.memory_space<hbm>> -> memref<1x2x128xi32, #tpu.memory_space<hbm>>
    %dma_wait3A_89 = tpu.memref_squeeze %dma_wait3A_88 : memref<1x2x128xi32, #tpu.memory_space<hbm>> -> memref<2x128xi32, #tpu.memory_space<hbm>>
    tpu.wait_dma2 semaphore(%arg16 : memref<!tpu.dma_semaphore, #tpu.memory_space<semaphore_mem>>) src(%dma_wait3A_89 : memref<2x128xi32, #tpu.memory_space<hbm>>) dst(%arg8 : memref<2x128xi32, #tpu.memory_space<vmem>>)
    %dma_start3A_90 = arith.constant 0 : i32
    %dma_start3A_91 = arith.constant 0 : i32
    %dma_start3A_92 = tpu.memref_slice %arg8[%dma_start3A_90, %dma_start3A_91] : memref<2x128xi32, #tpu.memory_space<vmem>> -> memref<1x128xi32, #tpu.memory_space<vmem>>
    %dma_start3A_93 = tpu.memref_squeeze %dma_start3A_92 : memref<1x128xi32, #tpu.memory_space<vmem>> -> memref<128xi32, #tpu.memory_space<vmem>>
    %dma_start3A_94 = arith.constant 0 : i32
    %dma_start3A_95 = arith.constant 0 : i32
    %dma_start3A_96 = tpu.memref_slice %arg2[%dma_start3A_94, %dma_start3A_95] : memref<160000x128xf32, #tpu.memory_space<hbm>> -> memref<160000x128xf32, #tpu.memory_space<hbm>>
    tpu.enqueue_indirect_dma source(%dma_start3A_96 : memref<160000x128xf32, #tpu.memory_space<hbm>>) target(%arg10 : memref<128x128xf32, #tpu.memory_space<vmem>>) offsets(%dma_start3A_93 : memref<128xi32, #tpu.memory_space<vmem>>) semaphore(%arg18 : memref<!tpu.dma_semaphore, #tpu.memory_space<semaphore_mem>>)
    %scan3A_97 = arith.constant 0 : i32
    %scan3A_98 = arith.constant 0 : i32
    %scan3A_99 = arith.constant 40 : i32
    %scan3A_100 = arith.addi %scan3A_98, %scan3A_99 : i32
    %scan3A_101 = arith.constant 1 : i32
    %scan3A_102 = scf.for %scan3A_112 = %scan3A_98 to %scan3A_100 step %scan3A_101 iter_args(%scan3A_113 = %scan3A_97) -> (i32)  : i32 {
      %mul3A_114 = arith.constant 2 : i32
      %mul3A_115 = arith.muli %scan3A_112, %mul3A_114 : i32
      %add3A_116 = arith.constant 0 : i32
      %add3A_117 = arith.addi %mul3A_115, %add3A_116 : i32
      %add3A_118 = arith.constant 2 : i32
      %add3A_119 = arith.addi %add3A_117, %add3A_118 : i32
      %sub3A = arith.constant 1 : i32
      %sub3A_120 = arith.subi %add3A_119, %sub3A : i32
      %lt3A = arith.constant 80 : i32
      %lt3A_121 = arith.cmpi slt, %sub3A_120, %lt3A : i32
      %convert_element_type3A_122 = arith.extui %lt3A_121 : i1 to i32
      %cond3A_123 = arith.constant 0 : i32
      %cond3A_124 = arith.cmpi ne, %convert_element_type3A_122, %cond3A_123 : i32
      scf.if %cond3A_124 {
        %dma_wait3A_170 = arith.constant 0 : i32
        %dma_wait3A_171 = arith.constant 0 : i32
        %dma_wait3A_172 = tpu.memref_slice %arg3[%add3A, %dma_wait3A_170, %dma_wait3A_171] : memref<2560x2x128xi32, #tpu.memory_space<hbm>> -> memref<1x2x128xi32, #tpu.memory_space<hbm>>
        %dma_wait3A_173 = tpu.memref_squeeze %dma_wait3A_172 : memref<1x2x128xi32, #tpu.memory_space<hbm>> -> memref<2x128xi32, #tpu.memory_space<hbm>>
        %dma_wait3A_174 = arith.constant 0 : i32
        %dma_wait3A_175 = arith.constant 0 : i32
        %dma_wait3A_176 = tpu.memref_slice %arg3[%add3A, %dma_wait3A_174, %dma_wait3A_175] : memref<2560x2x128xi32, #tpu.memory_space<hbm>> -> memref<1x2x128xi32, #tpu.memory_space<hbm>>
        %dma_wait3A_177 = tpu.memref_squeeze %dma_wait3A_176 : memref<1x2x128xi32, #tpu.memory_space<hbm>> -> memref<2x128xi32, #tpu.memory_space<hbm>>
        tpu.wait_dma2 semaphore(%arg17 : memref<!tpu.dma_semaphore, #tpu.memory_space<semaphore_mem>>) src(%dma_wait3A_177 : memref<2x128xi32, #tpu.memory_space<hbm>>) dst(%arg9 : memref<2x128xi32, #tpu.memory_space<vmem>>)
        %dma_start3A_178 = arith.constant 0 : i32
        %dma_start3A_179 = arith.constant 0 : i32
        %dma_start3A_180 = tpu.memref_slice %arg9[%dma_start3A_178, %dma_start3A_179] : memref<2x128xi32, #tpu.memory_space<vmem>> -> memref<1x128xi32, #tpu.memory_space<vmem>>
        %dma_start3A_181 = tpu.memref_squeeze %dma_start3A_180 : memref<1x128xi32, #tpu.memory_space<vmem>> -> memref<128xi32, #tpu.memory_space<vmem>>
        %dma_start3A_182 = arith.constant 0 : i32
        %dma_start3A_183 = arith.constant 0 : i32
        %dma_start3A_184 = tpu.memref_slice %arg2[%dma_start3A_182, %dma_start3A_183] : memref<160000x128xf32, #tpu.memory_space<hbm>> -> memref<160000x128xf32, #tpu.memory_space<hbm>>
        tpu.enqueue_indirect_dma source(%dma_start3A_184 : memref<160000x128xf32, #tpu.memory_space<hbm>>) target(%arg11 : memref<128x128xf32, #tpu.memory_space<vmem>>) offsets(%dma_start3A_181 : memref<128xi32, #tpu.memory_space<vmem>>) semaphore(%arg19 : memref<!tpu.dma_semaphore, #tpu.memory_space<semaphore_mem>>)
      } else {
      }
      %dma_wait3A_125 = arith.constant 0 : i32
      %dma_wait3A_126 = arith.constant 0 : i32
      %dma_wait3A_127 = tpu.memref_slice %arg8[%dma_wait3A_125, %dma_wait3A_126] : memref<2x128xi32, #tpu.memory_space<vmem>> -> memref<1x128xi32, #tpu.memory_space<vmem>>
      %dma_wait3A_128 = tpu.memref_squeeze %dma_wait3A_127 : memref<1x128xi32, #tpu.memory_space<vmem>> -> memref<128xi32, #tpu.memory_space<vmem>>
      %dma_wait3A_129 = arith.constant 0 : i32
      %dma_wait3A_130 = arith.constant 0 : i32
      %dma_wait3A_131 = tpu.memref_slice %arg2[%dma_wait3A_129, %dma_wait3A_130] : memref<160000x128xf32, #tpu.memory_space<hbm>> -> memref<160000x128xf32, #tpu.memory_space<hbm>>
      tpu.wait_indirect_dma semaphore(%arg18 : memref<!tpu.dma_semaphore, #tpu.memory_space<semaphore_mem>>) src(%dma_wait3A_131 : memref<160000x128xf32, #tpu.memory_space<hbm>>) dst(%arg10 : memref<128x128xf32, #tpu.memory_space<vmem>>)
      %run_scoped3A = arith.constant 1 : i32
      "tpu.region"() ({
        %run_scoped3A_170 = tpu.sem_alloc : memref<!tpu.dma_semaphore, #tpu.memory_space<semaphore_mem>>
        %dma_start3A_171 = arith.constant 0 : i32
        %dma_start3A_172 = tpu.memref_slice %arg8[%run_scoped3A, %dma_start3A_171] : memref<2x128xi32, #tpu.memory_space<vmem>> -> memref<1x128xi32, #tpu.memory_space<vmem>>
        %dma_start3A_173 = tpu.memref_squeeze %dma_start3A_172 : memref<1x128xi32, #tpu.memory_space<vmem>> -> memref<128xi32, #tpu.memory_space<vmem>>
        %dma_start3A_174 = arith.constant 0 : i32
        %dma_start3A_175 = arith.constant 0 : i32
        %dma_start3A_176 = tpu.memref_slice %arg14[%dma_start3A_174, %dma_start3A_175] : memref<10240x128xf32, #tpu.memory_space<vmem_shared>> -> memref<10240x128xf32, #tpu.memory_space<vmem_shared>>
        tpu.enqueue_indirect_dma source(%arg10 : memref<128x128xf32, #tpu.memory_space<vmem>>) target(%dma_start3A_176 : memref<10240x128xf32, #tpu.memory_space<vmem_shared>>) offsets(%dma_start3A_173 : memref<128xi32, #tpu.memory_space<vmem>>) semaphore(%run_scoped3A_170 : memref<!tpu.dma_semaphore, #tpu.memory_space<semaphore_mem>>) {add = true}
        %dma_wait3A_177 = arith.constant 0 : i32
        %dma_wait3A_178 = tpu.memref_slice %arg8[%run_scoped3A, %dma_wait3A_177] : memref<2x128xi32, #tpu.memory_space<vmem>> -> memref<1x128xi32, #tpu.memory_space<vmem>>
        %dma_wait3A_179 = tpu.memref_squeeze %dma_wait3A_178 : memref<1x128xi32, #tpu.memory_space<vmem>> -> memref<128xi32, #tpu.memory_space<vmem>>
        %dma_wait3A_180 = arith.constant 0 : i32
        %dma_wait3A_181 = arith.constant 0 : i32
        %dma_wait3A_182 = tpu.memref_slice %arg14[%dma_wait3A_180, %dma_wait3A_181] : memref<10240x128xf32, #tpu.memory_space<vmem_shared>> -> memref<10240x128xf32, #tpu.memory_space<vmem_shared>>
        tpu.wait_indirect_dma semaphore(%run_scoped3A_170 : memref<!tpu.dma_semaphore, #tpu.memory_space<semaphore_mem>>) src(%arg10 : memref<128x128xf32, #tpu.memory_space<vmem>>) dst(%dma_wait3A_182 : memref<10240x128xf32, #tpu.memory_space<vmem_shared>>)
        tpu.yield
      }) : () -> ()
      %run_scoped3A_132 = arith.constant 1 : i32
      "tpu.region"() ({
        %run_scoped3A_170 = tpu.sem_alloc : memref<!tpu.dma_semaphore, #tpu.memory_space<semaphore_mem>>
        %dma_start3A_171 = arith.constant 0 : i32
        %dma_start3A_172 = tpu.memref_slice %arg8[%run_scoped3A_132, %dma_start3A_171] : memref<2x128xi32, #tpu.memory_space<vmem>> -> memref<1x128xi32, #tpu.memory_space<vmem>>
        %dma_start3A_173 = tpu.memref_squeeze %dma_start3A_172 : memref<1x128xi32, #tpu.memory_space<vmem>> -> memref<128xi32, #tpu.memory_space<vmem>>
        %dma_start3A_174 = arith.constant 0 : i32
        %dma_start3A_175 = tpu.memref_slice %arg15[%dma_start3A_174] : memref<10240xf32, #tpu.memory_space<vmem_shared>> -> memref<10240xf32, #tpu.memory_space<vmem_shared>>
        tpu.enqueue_indirect_dma source(%arg12 : memref<128xf32, #tpu.memory_space<vmem>>) target(%dma_start3A_175 : memref<10240xf32, #tpu.memory_space<vmem_shared>>) offsets(%dma_start3A_173 : memref<128xi32, #tpu.memory_space<vmem>>) semaphore(%run_scoped3A_170 : memref<!tpu.dma_semaphore, #tpu.memory_space<semaphore_mem>>) {add = true}
        %dma_wait3A_176 = arith.constant 0 : i32
        %dma_wait3A_177 = tpu.memref_slice %arg8[%run_scoped3A_132, %dma_wait3A_176] : memref<2x128xi32, #tpu.memory_space<vmem>> -> memref<1x128xi32, #tpu.memory_space<vmem>>
        %dma_wait3A_178 = tpu.memref_squeeze %dma_wait3A_177 : memref<1x128xi32, #tpu.memory_space<vmem>> -> memref<128xi32, #tpu.memory_space<vmem>>
        %dma_wait3A_179 = arith.constant 0 : i32
        %dma_wait3A_180 = tpu.memref_slice %arg15[%dma_wait3A_179] : memref<10240xf32, #tpu.memory_space<vmem_shared>> -> memref<10240xf32, #tpu.memory_space<vmem_shared>>
        tpu.wait_indirect_dma semaphore(%run_scoped3A_170 : memref<!tpu.dma_semaphore, #tpu.memory_space<semaphore_mem>>) src(%arg12 : memref<128xf32, #tpu.memory_space<vmem>>) dst(%dma_wait3A_180 : memref<10240xf32, #tpu.memory_space<vmem_shared>>)
        tpu.yield
      }) : () -> ()
      %add3A_133 = arith.constant 2 : i32
      %add3A_134 = arith.addi %add3A_117, %add3A_133 : i32
      %lt3A_135 = arith.constant 80 : i32
      %lt3A_136 = arith.cmpi slt, %add3A_134, %lt3A_135 : i32
      %convert_element_type3A_137 = arith.extui %lt3A_136 : i1 to i32
      %cond3A_138 = arith.constant 0 : i32
      %cond3A_139 = arith.cmpi ne, %convert_element_type3A_137, %cond3A_138 : i32
      scf.if %cond3A_139 {
        %add3A_170 = arith.constant 2 : i32
        %add3A_171 = arith.addi %add3A_117, %add3A_170 : i32
        %mul3A_172 = arith.constant 80 : i32
        %mul3A_173 = arith.muli %add3A, %mul3A_172 : i32
        %add3A_174 = arith.addi %mul3A_173, %add3A_171 : i32
        %dma_start3A_175 = arith.constant 0 : i32
        %dma_start3A_176 = arith.constant 0 : i32
        %dma_start3A_177 = tpu.memref_slice %arg3[%add3A_174, %dma_start3A_175, %dma_start3A_176] : memref<2560x2x128xi32, #tpu.memory_space<hbm>> -> memref<1x2x128xi32, #tpu.memory_space<hbm>>
        %dma_start3A_178 = tpu.memref_squeeze %dma_start3A_177 : memref<1x2x128xi32, #tpu.memory_space<hbm>> -> memref<2x128xi32, #tpu.memory_space<hbm>>
        %dma_start3A_179 = arith.constant 0 : i32
        %dma_start3A_180 = arith.constant 0 : i32
        %dma_start3A_181 = tpu.memref_slice %arg3[%add3A_174, %dma_start3A_179, %dma_start3A_180] : memref<2560x2x128xi32, #tpu.memory_space<hbm>> -> memref<1x2x128xi32, #tpu.memory_space<hbm>>
        %dma_start3A_182 = tpu.memref_squeeze %dma_start3A_181 : memref<1x2x128xi32, #tpu.memory_space<hbm>> -> memref<2x128xi32, #tpu.memory_space<hbm>>
        tpu.enqueue_dma source(%dma_start3A_182 : memref<2x128xi32, #tpu.memory_space<hbm>>) target(%arg8 : memref<2x128xi32, #tpu.memory_space<vmem>>) target_semaphore(%arg16 : memref<!tpu.dma_semaphore, #tpu.memory_space<semaphore_mem>>)
      } else {
      }
      %mul3A_140 = arith.constant 2 : i32
      %mul3A_141 = arith.muli %scan3A_112, %mul3A_140 : i32
      %add3A_142 = arith.constant 1 : i32
      %add3A_143 = arith.addi %mul3A_141, %add3A_142 : i32
      %add3A_144 = arith.constant 2 : i32
      %add3A_145 = arith.addi %add3A_143, %add3A_144 : i32
      %sub3A_146 = arith.constant 1 : i32
      %sub3A_147 = arith.subi %add3A_145, %sub3A_146 : i32
      %lt3A_148 = arith.constant 80 : i32
      %lt3A_149 = arith.cmpi slt, %sub3A_147, %lt3A_148 : i32
      %convert_element_type3A_150 = arith.extui %lt3A_149 : i1 to i32
      %cond3A_151 = arith.constant 0 : i32
      %cond3A_152 = arith.cmpi ne, %convert_element_type3A_150, %cond3A_151 : i32
      scf.if %cond3A_152 {
        %dma_wait3A_170 = arith.constant 0 : i32
        %dma_wait3A_171 = arith.constant 0 : i32
        %dma_wait3A_172 = tpu.memref_slice %arg3[%add3A, %dma_wait3A_170, %dma_wait3A_171] : memref<2560x2x128xi32, #tpu.memory_space<hbm>> -> memref<1x2x128xi32, #tpu.memory_space<hbm>>
        %dma_wait3A_173 = tpu.memref_squeeze %dma_wait3A_172 : memref<1x2x128xi32, #tpu.memory_space<hbm>> -> memref<2x128xi32, #tpu.memory_space<hbm>>
        %dma_wait3A_174 = arith.constant 0 : i32
        %dma_wait3A_175 = arith.constant 0 : i32
        %dma_wait3A_176 = tpu.memref_slice %arg3[%add3A, %dma_wait3A_174, %dma_wait3A_175] : memref<2560x2x128xi32, #tpu.memory_space<hbm>> -> memref<1x2x128xi32, #tpu.memory_space<hbm>>
        %dma_wait3A_177 = tpu.memref_squeeze %dma_wait3A_176 : memref<1x2x128xi32, #tpu.memory_space<hbm>> -> memref<2x128xi32, #tpu.memory_space<hbm>>
        tpu.wait_dma2 semaphore(%arg16 : memref<!tpu.dma_semaphore, #tpu.memory_space<semaphore_mem>>) src(%dma_wait3A_177 : memref<2x128xi32, #tpu.memory_space<hbm>>) dst(%arg8 : memref<2x128xi32, #tpu.memory_space<vmem>>)
        %dma_start3A_178 = arith.constant 0 : i32
        %dma_start3A_179 = arith.constant 0 : i32
        %dma_start3A_180 = tpu.memref_slice %arg8[%dma_start3A_178, %dma_start3A_179] : memref<2x128xi32, #tpu.memory_space<vmem>> -> memref<1x128xi32, #tpu.memory_space<vmem>>
        %dma_start3A_181 = tpu.memref_squeeze %dma_start3A_180 : memref<1x128xi32, #tpu.memory_space<vmem>> -> memref<128xi32, #tpu.memory_space<vmem>>
        %dma_start3A_182 = arith.constant 0 : i32
        %dma_start3A_183 = arith.constant 0 : i32
        %dma_start3A_184 = tpu.memref_slice %arg2[%dma_start3A_182, %dma_start3A_183] : memref<160000x128xf32, #tpu.memory_space<hbm>> -> memref<160000x128xf32, #tpu.memory_space<hbm>>
        tpu.enqueue_indirect_dma source(%dma_start3A_184 : memref<160000x128xf32, #tpu.memory_space<hbm>>) target(%arg10 : memref<128x128xf32, #tpu.memory_space<vmem>>) offsets(%dma_start3A_181 : memref<128xi32, #tpu.memory_space<vmem>>) semaphore(%arg18 : memref<!tpu.dma_semaphore, #tpu.memory_space<semaphore_mem>>)
      } else {
      }
      %dma_wait3A_153 = arith.constant 0 : i32
      %dma_wait3A_154 = arith.constant 0 : i32
      %dma_wait3A_155 = tpu.memref_slice %arg9[%dma_wait3A_153, %dma_wait3A_154] : memref<2x128xi32, #tpu.memory_space<vmem>> -> memref<1x128xi32, #tpu.memory_space<vmem>>
      %dma_wait3A_156 = tpu.memref_squeeze %dma_wait3A_155 : memref<1x128xi32, #tpu.memory_space<vmem>> -> memref<128xi32, #tpu.memory_space<vmem>>
      %dma_wait3A_157 = arith.constant 0 : i32
      %dma_wait3A_158 = arith.constant 0 : i32
      %dma_wait3A_159 = tpu.memref_slice %arg2[%dma_wait3A_157, %dma_wait3A_158] : memref<160000x128xf32, #tpu.memory_space<hbm>> -> memref<160000x128xf32, #tpu.memory_space<hbm>>
      tpu.wait_indirect_dma semaphore(%arg19 : memref<!tpu.dma_semaphore, #tpu.memory_space<semaphore_mem>>) src(%dma_wait3A_159 : memref<160000x128xf32, #tpu.memory_space<hbm>>) dst(%arg11 : memref<128x128xf32, #tpu.memory_space<vmem>>)
      %run_scoped3A_160 = arith.constant 1 : i32
      "tpu.region"() ({
        %run_scoped3A_170 = tpu.sem_alloc : memref<!tpu.dma_semaphore, #tpu.memory_space<semaphore_mem>>
        %dma_start3A_171 = arith.constant 0 : i32
        %dma_start3A_172 = tpu.memref_slice %arg9[%run_scoped3A_160, %dma_start3A_171] : memref<2x128xi32, #tpu.memory_space<vmem>> -> memref<1x128xi32, #tpu.memory_space<vmem>>
        %dma_start3A_173 = tpu.memref_squeeze %dma_start3A_172 : memref<1x128xi32, #tpu.memory_space<vmem>> -> memref<128xi32, #tpu.memory_space<vmem>>
        %dma_start3A_174 = arith.constant 0 : i32
        %dma_start3A_175 = arith.constant 0 : i32
        %dma_start3A_176 = tpu.memref_slice %arg14[%dma_start3A_174, %dma_start3A_175] : memref<10240x128xf32, #tpu.memory_space<vmem_shared>> -> memref<10240x128xf32, #tpu.memory_space<vmem_shared>>
        tpu.enqueue_indirect_dma source(%arg11 : memref<128x128xf32, #tpu.memory_space<vmem>>) target(%dma_start3A_176 : memref<10240x128xf32, #tpu.memory_space<vmem_shared>>) offsets(%dma_start3A_173 : memref<128xi32, #tpu.memory_space<vmem>>) semaphore(%run_scoped3A_170 : memref<!tpu.dma_semaphore, #tpu.memory_space<semaphore_mem>>) {add = true}
        %dma_wait3A_177 = arith.constant 0 : i32
        %dma_wait3A_178 = tpu.memref_slice %arg9[%run_scoped3A_160, %dma_wait3A_177] : memref<2x128xi32, #tpu.memory_space<vmem>> -> memref<1x128xi32, #tpu.memory_space<vmem>>
        %dma_wait3A_179 = tpu.memref_squeeze %dma_wait3A_178 : memref<1x128xi32, #tpu.memory_space<vmem>> -> memref<128xi32, #tpu.memory_space<vmem>>
        %dma_wait3A_180 = arith.constant 0 : i32
        %dma_wait3A_181 = arith.constant 0 : i32
        %dma_wait3A_182 = tpu.memref_slice %arg14[%dma_wait3A_180, %dma_wait3A_181] : memref<10240x128xf32, #tpu.memory_space<vmem_shared>> -> memref<10240x128xf32, #tpu.memory_space<vmem_shared>>
        tpu.wait_indirect_dma semaphore(%run_scoped3A_170 : memref<!tpu.dma_semaphore, #tpu.memory_space<semaphore_mem>>) src(%arg11 : memref<128x128xf32, #tpu.memory_space<vmem>>) dst(%dma_wait3A_182 : memref<10240x128xf32, #tpu.memory_space<vmem_shared>>)
        tpu.yield
      }) : () -> ()
      %run_scoped3A_161 = arith.constant 1 : i32
      "tpu.region"() ({
        %run_scoped3A_170 = tpu.sem_alloc : memref<!tpu.dma_semaphore, #tpu.memory_space<semaphore_mem>>
        %dma_start3A_171 = arith.constant 0 : i32
        %dma_start3A_172 = tpu.memref_slice %arg9[%run_scoped3A_161, %dma_start3A_171] : memref<2x128xi32, #tpu.memory_space<vmem>> -> memref<1x128xi32, #tpu.memory_space<vmem>>
        %dma_start3A_173 = tpu.memref_squeeze %dma_start3A_172 : memref<1x128xi32, #tpu.memory_space<vmem>> -> memref<128xi32, #tpu.memory_space<vmem>>
        %dma_start3A_174 = arith.constant 0 : i32
        %dma_start3A_175 = tpu.memref_slice %arg15[%dma_start3A_174] : memref<10240xf32, #tpu.memory_space<vmem_shared>> -> memref<10240xf32, #tpu.memory_space<vmem_shared>>
        tpu.enqueue_indirect_dma source(%arg12 : memref<128xf32, #tpu.memory_space<vmem>>) target(%dma_start3A_175 : memref<10240xf32, #tpu.memory_space<vmem_shared>>) offsets(%dma_start3A_173 : memref<128xi32, #tpu.memory_space<vmem>>) semaphore(%run_scoped3A_170 : memref<!tpu.dma_semaphore, #tpu.memory_space<semaphore_mem>>) {add = true}
        %dma_wait3A_176 = arith.constant 0 : i32
        %dma_wait3A_177 = tpu.memref_slice %arg9[%run_scoped3A_161, %dma_wait3A_176] : memref<2x128xi32, #tpu.memory_space<vmem>> -> memref<1x128xi32, #tpu.memory_space<vmem>>
        %dma_wait3A_178 = tpu.memref_squeeze %dma_wait3A_177 : memref<1x128xi32, #tpu.memory_space<vmem>> -> memref<128xi32, #tpu.memory_space<vmem>>
        %dma_wait3A_179 = arith.constant 0 : i32
        %dma_wait3A_180 = tpu.memref_slice %arg15[%dma_wait3A_179] : memref<10240xf32, #tpu.memory_space<vmem_shared>> -> memref<10240xf32, #tpu.memory_space<vmem_shared>>
        tpu.wait_indirect_dma semaphore(%run_scoped3A_170 : memref<!tpu.dma_semaphore, #tpu.memory_space<semaphore_mem>>) src(%arg12 : memref<128xf32, #tpu.memory_space<vmem>>) dst(%dma_wait3A_180 : memref<10240xf32, #tpu.memory_space<vmem_shared>>)
        tpu.yield
      }) : () -> ()
      %add3A_162 = arith.constant 2 : i32
      %add3A_163 = arith.addi %add3A_143, %add3A_162 : i32
      %lt3A_164 = arith.constant 80 : i32
      %lt3A_165 = arith.cmpi slt, %add3A_163, %lt3A_164 : i32
      %convert_element_type3A_166 = arith.extui %lt3A_165 : i1 to i32
      %cond3A_167 = arith.constant 0 : i32
      %cond3A_168 = arith.cmpi ne, %convert_element_type3A_166, %cond3A_167 : i32
      scf.if %cond3A_168 {
        %add3A_170 = arith.constant 2 : i32
        %add3A_171 = arith.addi %add3A_143, %add3A_170 : i32
        %mul3A_172 = arith.constant 80 : i32
        %mul3A_173 = arith.muli %add3A, %mul3A_172 : i32
        %add3A_174 = arith.addi %mul3A_173, %add3A_171 : i32
        %dma_start3A_175 = arith.constant 0 : i32
        %dma_start3A_176 = arith.constant 0 : i32
        %dma_start3A_177 = tpu.memref_slice %arg3[%add3A_174, %dma_start3A_175, %dma_start3A_176] : memref<2560x2x128xi32, #tpu.memory_space<hbm>> -> memref<1x2x128xi32, #tpu.memory_space<hbm>>
        %dma_start3A_178 = tpu.memref_squeeze %dma_start3A_177 : memref<1x2x128xi32, #tpu.memory_space<hbm>> -> memref<2x128xi32, #tpu.memory_space<hbm>>
        %dma_start3A_179 = arith.constant 0 : i32
        %dma_start3A_180 = arith.constant 0 : i32
        %dma_start3A_181 = tpu.memref_slice %arg3[%add3A_174, %dma_start3A_179, %dma_start3A_180] : memref<2560x2x128xi32, #tpu.memory_space<hbm>> -> memref<1x2x128xi32, #tpu.memory_space<hbm>>
        %dma_start3A_182 = tpu.memref_squeeze %dma_start3A_181 : memref<1x2x128xi32, #tpu.memory_space<hbm>> -> memref<2x128xi32, #tpu.memory_space<hbm>>
        tpu.enqueue_dma source(%dma_start3A_182 : memref<2x128xi32, #tpu.memory_space<hbm>>) target(%arg9 : memref<2x128xi32, #tpu.memory_space<vmem>>) target_semaphore(%arg17 : memref<!tpu.dma_semaphore, #tpu.memory_space<semaphore_mem>>)
      } else {
      }
      %scan3A_169 = arith.constant 0 : i32
      scf.yield %scan3A_169 : i32
    }
    %scan3A_103 = arith.constant 40 : i32
    %barrier3A_104 = arith.constant 0 : index
    tpu.barrier barrier_id(%barrier3A_104)
    %eq3A = arith.constant 0 : i32
    %eq3A_105 = arith.cmpi eq, %arg0, %eq3A : i32
    %convert_element_type3A = arith.extui %eq3A_105 : i1 to i32
    %cond3A = arith.constant 0 : i32
    %cond3A_106 = arith.cmpi ne, %convert_element_type3A, %cond3A : i32
    scf.if %cond3A_106 {
      "tpu.region"() ({
        %run_scoped3A = tpu.sem_alloc : memref<!tpu.dma_semaphore, #tpu.memory_space<semaphore_mem>>
        %dma_start3A_112 = arith.constant 0 : i32
        %dma_start3A_113 = tpu.memref_slice %arg4[%mul3A_2, %dma_start3A_112] : memref<10240x128xf32, #tpu.memory_space<hbm>> -> memref<640x128xf32, #tpu.memory_space<hbm>>
        %dma_start3A_114 = arith.constant 0 : i32
        %dma_start3A_115 = tpu.memref_slice %arg14[%mul3A_2, %dma_start3A_114] : memref<10240x128xf32, #tpu.memory_space<vmem_shared>> -> memref<640x128xf32, #tpu.memory_space<vmem_shared>>
        tpu.enqueue_dma source(%dma_start3A_115 : memref<640x128xf32, #tpu.memory_space<vmem_shared>>) target(%dma_start3A_113 : memref<640x128xf32, #tpu.memory_space<hbm>>) target_semaphore(%run_scoped3A : memref<!tpu.dma_semaphore, #tpu.memory_space<semaphore_mem>>)
        %dma_wait3A_116 = arith.constant 0 : i32
        %dma_wait3A_117 = tpu.memref_slice %arg4[%mul3A_2, %dma_wait3A_116] : memref<10240x128xf32, #tpu.memory_space<hbm>> -> memref<640x128xf32, #tpu.memory_space<hbm>>
        %dma_wait3A_118 = arith.constant 0 : i32
        %dma_wait3A_119 = tpu.memref_slice %arg14[%mul3A_2, %dma_wait3A_118] : memref<10240x128xf32, #tpu.memory_space<vmem_shared>> -> memref<640x128xf32, #tpu.memory_space<vmem_shared>>
        tpu.wait_dma2 semaphore(%run_scoped3A : memref<!tpu.dma_semaphore, #tpu.memory_space<semaphore_mem>>) src(%dma_wait3A_119 : memref<640x128xf32, #tpu.memory_space<vmem_shared>>) dst(%dma_wait3A_117 : memref<640x128xf32, #tpu.memory_space<hbm>>)
        tpu.yield
      }) : () -> ()
      "tpu.region"() ({
        %run_scoped3A = tpu.sem_alloc : memref<!tpu.dma_semaphore, #tpu.memory_space<semaphore_mem>>
        %dma_start3A_112 = tpu.memref_slice %arg6[%mul3A_2] : memref<10240xf32, #tpu.memory_space<hbm>> -> memref<640xf32, #tpu.memory_space<hbm>>
        %dma_start3A_113 = tpu.memref_slice %arg15[%mul3A_2] : memref<10240xf32, #tpu.memory_space<vmem_shared>> -> memref<640xf32, #tpu.memory_space<vmem_shared>>
        tpu.enqueue_dma source(%dma_start3A_113 : memref<640xf32, #tpu.memory_space<vmem_shared>>) target(%dma_start3A_112 : memref<640xf32, #tpu.memory_space<hbm>>) target_semaphore(%run_scoped3A : memref<!tpu.dma_semaphore, #tpu.memory_space<semaphore_mem>>)
        %dma_wait3A_114 = tpu.memref_slice %arg6[%mul3A_2] : memref<10240xf32, #tpu.memory_space<hbm>> -> memref<640xf32, #tpu.memory_space<hbm>>
        %dma_wait3A_115 = tpu.memref_slice %arg15[%mul3A_2] : memref<10240xf32, #tpu.memory_space<vmem_shared>> -> memref<640xf32, #tpu.memory_space<vmem_shared>>
        tpu.wait_dma2 semaphore(%run_scoped3A : memref<!tpu.dma_semaphore, #tpu.memory_space<semaphore_mem>>) src(%dma_wait3A_115 : memref<640xf32, #tpu.memory_space<vmem_shared>>) dst(%dma_wait3A_114 : memref<640xf32, #tpu.memory_space<hbm>>)
        tpu.yield
      }) : () -> ()
    } else {
    }
    %eq3A_107 = arith.constant 1 : i32
    %eq3A_108 = arith.cmpi eq, %arg0, %eq3A_107 : i32
    %convert_element_type3A_109 = arith.extui %eq3A_108 : i1 to i32
    %cond3A_110 = arith.constant 0 : i32
    %cond3A_111 = arith.cmpi ne, %convert_element_type3A_109, %cond3A_110 : i32
    scf.if %cond3A_111 {
      "tpu.region"() ({
        %run_scoped3A = tpu.sem_alloc : memref<!tpu.dma_semaphore, #tpu.memory_space<semaphore_mem>>
        %dma_start3A_112 = arith.constant 0 : i32
        %dma_start3A_113 = tpu.memref_slice %arg5[%mul3A_2, %dma_start3A_112] : memref<10240x128xf32, #tpu.memory_space<hbm>> -> memref<640x128xf32, #tpu.memory_space<hbm>>
        %dma_start3A_114 = arith.constant 0 : i32
        %dma_start3A_115 = tpu.memref_slice %arg14[%mul3A_2, %dma_start3A_114] : memref<10240x128xf32, #tpu.memory_space<vmem_shared>> -> memref<640x128xf32, #tpu.memory_space<vmem_shared>>
        tpu.enqueue_dma source(%dma_start3A_115 : memref<640x128xf32, #tpu.memory_space<vmem_shared>>) target(%dma_start3A_113 : memref<640x128xf32, #tpu.memory_space<hbm>>) target_semaphore(%run_scoped3A : memref<!tpu.dma_semaphore, #tpu.memory_space<semaphore_mem>>)
        %dma_wait3A_116 = arith.constant 0 : i32
        %dma_wait3A_117 = tpu.memref_slice %arg5[%mul3A_2, %dma_wait3A_116] : memref<10240x128xf32, #tpu.memory_space<hbm>> -> memref<640x128xf32, #tpu.memory_space<hbm>>
        %dma_wait3A_118 = arith.constant 0 : i32
        %dma_wait3A_119 = tpu.memref_slice %arg14[%mul3A_2, %dma_wait3A_118] : memref<10240x128xf32, #tpu.memory_space<vmem_shared>> -> memref<640x128xf32, #tpu.memory_space<vmem_shared>>
        tpu.wait_dma2 semaphore(%run_scoped3A : memref<!tpu.dma_semaphore, #tpu.memory_space<semaphore_mem>>) src(%dma_wait3A_119 : memref<640x128xf32, #tpu.memory_space<vmem_shared>>) dst(%dma_wait3A_117 : memref<640x128xf32, #tpu.memory_space<hbm>>)
        tpu.yield
      }) : () -> ()
      "tpu.region"() ({
        %run_scoped3A = tpu.sem_alloc : memref<!tpu.dma_semaphore, #tpu.memory_space<semaphore_mem>>
        %dma_start3A_112 = tpu.memref_slice %arg7[%mul3A_2] : memref<10240xf32, #tpu.memory_space<hbm>> -> memref<640xf32, #tpu.memory_space<hbm>>
        %dma_start3A_113 = tpu.memref_slice %arg15[%mul3A_2] : memref<10240xf32, #tpu.memory_space<vmem_shared>> -> memref<640xf32, #tpu.memory_space<vmem_shared>>
        tpu.enqueue_dma source(%dma_start3A_113 : memref<640xf32, #tpu.memory_space<vmem_shared>>) target(%dma_start3A_112 : memref<640xf32, #tpu.memory_space<hbm>>) target_semaphore(%run_scoped3A : memref<!tpu.dma_semaphore, #tpu.memory_space<semaphore_mem>>)
        %dma_wait3A_114 = tpu.memref_slice %arg7[%mul3A_2] : memref<10240xf32, #tpu.memory_space<hbm>> -> memref<640xf32, #tpu.memory_space<hbm>>
        %dma_wait3A_115 = tpu.memref_slice %arg15[%mul3A_2] : memref<10240xf32, #tpu.memory_space<vmem_shared>> -> memref<640xf32, #tpu.memory_space<vmem_shared>>
        tpu.wait_dma2 semaphore(%run_scoped3A : memref<!tpu.dma_semaphore, #tpu.memory_space<semaphore_mem>>) src(%dma_wait3A_115 : memref<640xf32, #tpu.memory_space<vmem_shared>>) dst(%dma_wait3A_114 : memref<640xf32, #tpu.memory_space<hbm>>)
        tpu.yield
      }) : () -> ()
    } else {
    }
    return
  }
}

module attributes {stable_mosaic.version = 14 : i64} {
  func.func @_pre_body(%arg0: i32, %arg1: i32, %arg2: memref<16x4xf32, #tpu.memory_space<smem>>, %arg3: memref<4x128x128xf32, #tpu.memory_space<vmem>>, %arg4: memref<1000x128xf32, #tpu.memory_space<vmem>>, %arg5: memref<16x128xf32, #tpu.memory_space<vmem>>, %arg6: memref<128x128xf32, #tpu.memory_space<vmem>>, %arg7: memref<1x128xf32, #tpu.memory_space<vmem>>, %arg8: memref<1000x128xf32, #tpu.memory_space<vmem>>, %arg9: memref<16x128xf32, #tpu.memory_space<vmem>>) attributes {dimension_semantics = [#tpu.dimension_semantics<arbitrary>, #tpu.dimension_semantics<arbitrary>], iteration_bounds = array<i64: 10, 16>, scalar_prefetch = 0 : i64, scratch_operands = 0 : i64, tpu.core_type = #tpu.core_type<tc>, window_params = [{transform_indices = @transform_0, window_bounds = array<i64: 16, 4>}, {pipeline_mode = #tpu.pipeline_mode<synchronous>, transform_indices = @transform_1, window_bounds = array<i64: 4, 128, 128>}, {transform_indices = @transform_2, window_bounds = array<i64: 1000, 128>}, {pipeline_mode = #tpu.pipeline_mode<synchronous>, transform_indices = @transform_3, window_bounds = array<i64: 16, 128>}, {pipeline_mode = #tpu.pipeline_mode<synchronous>, transform_indices = @transform_4, window_bounds = array<i64: 128, 128>}, {pipeline_mode = #tpu.pipeline_mode<synchronous>, transform_indices = @transform_5, window_bounds = array<i64: 1, 128>}, {transform_indices = @transform_6, window_bounds = array<i64: 1000, 128>}, {pipeline_mode = #tpu.pipeline_mode<synchronous>, transform_indices = @transform_7, window_bounds = array<i64: 16, 128>}]} {
    %get3A = arith.index_cast %arg1 : i32 to index
    %get3A_0 = arith.constant 0 : index
    %get3A_1 = memref.load %arg2[%get3A, %get3A_0] : memref<16x4xf32, #tpu.memory_space<smem>>
    %get3A_2 = arith.constant 0 : index
    %get3A_3 = arith.constant 0 : index
    %get3A_4 = arith.constant 0 : index
    %get3A_5 = vector.load %arg3[%get3A_2, %get3A_3, %get3A_4] : memref<4x128x128xf32, #tpu.memory_space<vmem>>, vector<1x128x128xf32>
    %get3A_6 = vector.shape_cast %get3A_5 : vector<1x128x128xf32> to vector<128x128xf32>
    %mul3A = vector.broadcast %get3A_1 : f32 to vector<128x128xf32>
    %mul3A_7 = arith.mulf %mul3A, %get3A_6 : vector<128x128xf32>
    %get3A_8 = arith.index_cast %arg1 : i32 to index
    %get3A_9 = arith.constant 1 : index
    %get3A_10 = memref.load %arg2[%get3A_8, %get3A_9] : memref<16x4xf32, #tpu.memory_space<smem>>
    %get3A_11 = arith.constant 1 : index
    %get3A_12 = arith.constant 0 : index
    %get3A_13 = arith.constant 0 : index
    %get3A_14 = vector.load %arg3[%get3A_11, %get3A_12, %get3A_13] : memref<4x128x128xf32, #tpu.memory_space<vmem>>, vector<1x128x128xf32>
    %get3A_15 = vector.shape_cast %get3A_14 : vector<1x128x128xf32> to vector<128x128xf32>
    %mul3A_16 = vector.broadcast %get3A_10 : f32 to vector<128x128xf32>
    %mul3A_17 = arith.mulf %mul3A_16, %get3A_15 : vector<128x128xf32>
    %add3A = arith.addf %mul3A_7, %mul3A_17 : vector<128x128xf32>
    %get3A_18 = arith.index_cast %arg1 : i32 to index
    %get3A_19 = arith.constant 2 : index
    %get3A_20 = memref.load %arg2[%get3A_18, %get3A_19] : memref<16x4xf32, #tpu.memory_space<smem>>
    %get3A_21 = arith.constant 2 : index
    %get3A_22 = arith.constant 0 : index
    %get3A_23 = arith.constant 0 : index
    %get3A_24 = vector.load %arg3[%get3A_21, %get3A_22, %get3A_23] : memref<4x128x128xf32, #tpu.memory_space<vmem>>, vector<1x128x128xf32>
    %get3A_25 = vector.shape_cast %get3A_24 : vector<1x128x128xf32> to vector<128x128xf32>
    %mul3A_26 = vector.broadcast %get3A_20 : f32 to vector<128x128xf32>
    %mul3A_27 = arith.mulf %mul3A_26, %get3A_25 : vector<128x128xf32>
    %add3A_28 = arith.addf %add3A, %mul3A_27 : vector<128x128xf32>
    %get3A_29 = arith.index_cast %arg1 : i32 to index
    %get3A_30 = arith.constant 3 : index
    %get3A_31 = memref.load %arg2[%get3A_29, %get3A_30] : memref<16x4xf32, #tpu.memory_space<smem>>
    %get3A_32 = arith.constant 3 : index
    %get3A_33 = arith.constant 0 : index
    %get3A_34 = arith.constant 0 : index
    %get3A_35 = vector.load %arg3[%get3A_32, %get3A_33, %get3A_34] : memref<4x128x128xf32, #tpu.memory_space<vmem>>, vector<1x128x128xf32>
    %get3A_36 = vector.shape_cast %get3A_35 : vector<1x128x128xf32> to vector<128x128xf32>
    %mul3A_37 = vector.broadcast %get3A_31 : f32 to vector<128x128xf32>
    %mul3A_38 = arith.mulf %mul3A_37, %get3A_36 : vector<128x128xf32>
    %add3A_39 = arith.addf %add3A_28, %mul3A_38 : vector<128x128xf32>
    %get3A_40 = arith.constant 0 : index
    %get3A_41 = arith.constant 0 : index
    %get3A_42 = vector.load %arg4[%get3A_40, %get3A_41] : memref<1000x128xf32, #tpu.memory_space<vmem>>, vector<1000x128xf32>
    %convert_element_type3A = arith.truncf %get3A_42 : vector<1000x128xf32> to vector<1000x128xbf16>
    %convert_element_type3A_43 = arith.truncf %add3A_39 : vector<128x128xf32> to vector<128x128xbf16>
    %dot_general3A = arith.constant dense<0.000000e+00> : vector<1000x128xf32>
    %dot_general3A_44 = tpu.matmul %convert_element_type3A, %convert_element_type3A_43, %dot_general3A {dimension_numbers = #tpu.dot_dimension_numbers<[1], [0], [0], [1], [0, 0, 1, 1], [], []>, transpose_lhs_hint = false} : vector<1000x128xbf16>, vector<128x128xbf16>, vector<1000x128xf32> -> vector<1000x128xf32>
    %swap3A = arith.constant 0 : index
    %swap3A_45 = arith.constant 0 : index
    %swap3A_46 = vector.load %arg8[%swap3A, %swap3A_45] : memref<1000x128xf32, #tpu.memory_space<vmem>>, vector<1000x128xf32>
    tpu.vector_store %arg8[%swap3A, %swap3A_45], %dot_general3A_44 {strides = array<i32>} : memref<1000x128xf32, #tpu.memory_space<vmem>>, vector<1000x128xf32>,
    %eq3A = arith.constant 0 : i32
    %eq3A_47 = arith.cmpi eq, %arg0, %eq3A : i32
    %eq3A_48 = arith.constant 0 : i32
    %eq3A_49 = arith.cmpi eq, %arg1, %eq3A_48 : i32
    %and3A = arith.andi %eq3A_47, %eq3A_49 : i1
    %convert_element_type3A_50 = arith.extui %and3A : i1 to i32
    %cond3A = arith.constant 0 : i32
    %cond3A_51 = arith.cmpi ne, %convert_element_type3A_50, %cond3A : i32
    scf.if %cond3A_51 {
      %get3A_52 = arith.constant 0 : index
      %get3A_53 = arith.constant 0 : index
      %get3A_54 = vector.load %arg5[%get3A_52, %get3A_53] : memref<16x128xf32, #tpu.memory_space<vmem>>, vector<16x128xf32>
      %get3A_55 = arith.constant 0 : index
      %get3A_56 = arith.constant 0 : index
      %get3A_57 = vector.load %arg6[%get3A_55, %get3A_56] : memref<128x128xf32, #tpu.memory_space<vmem>>, vector<128x128xf32>
      %dot_general3A_58 = arith.constant dense<0.000000e+00> : vector<16x128xf32>
      %dot_general3A_59 = tpu.matmul %get3A_54, %get3A_57, %dot_general3A_58 {dimension_numbers = #tpu.dot_dimension_numbers<[1], [1], [0], [0], [0, 0, 1, 0], [], []>, transpose_lhs_hint = false} : vector<16x128xf32>, vector<128x128xf32>, vector<16x128xf32> -> vector<16x128xf32>
      %get3A_60 = arith.constant 0 : index
      %get3A_61 = arith.constant 0 : index
      %get3A_62 = vector.load %arg7[%get3A_60, %get3A_61] : memref<1x128xf32, #tpu.memory_space<vmem>>, vector<1x128xf32>
      %add3A_63 = vector.broadcast %get3A_62 : vector<1x128xf32> to vector<16x128xf32>
      %add3A_64 = arith.addf %dot_general3A_59, %add3A_63 : vector<16x128xf32>
      %swap3A_65 = arith.constant 0 : index
      %swap3A_66 = arith.constant 0 : index
      %swap3A_67 = vector.load %arg9[%swap3A_65, %swap3A_66] : memref<16x128xf32, #tpu.memory_space<vmem>>, vector<16x128xf32>
      tpu.vector_store %arg9[%swap3A_65, %swap3A_66], %add3A_64 {strides = array<i32>} : memref<16x128xf32, #tpu.memory_space<vmem>>, vector<16x128xf32>,
    } else {
    }
    return
  }
  func.func @transform_0(%arg0: i32, %arg1: i32) -> (i32, i32) {
    %c0_i32 = arith.constant 0 : i32
    %c0_i32_0 = arith.constant 0 : i32
    %c0_i32_1 = arith.constant 0 : i32
    return %c0_i32, %c0_i32_0 : i32, i32
  }
  func.func @transform_1(%arg0: i32, %arg1: i32) -> (i32, i32, i32) {
    %c0_i32 = arith.constant 0 : i32
    %c0_i32_0 = arith.constant 0 : i32
    %c0_i32_1 = arith.constant 0 : i32
    %c0_i32_2 = arith.constant 0 : i32
    return %c0_i32, %c0_i32_0, %c0_i32_1 : i32, i32, i32
  }
  func.func @transform_2(%arg0: i32, %arg1: i32) -> (i32, i32) {
    %c0_i32 = arith.constant 0 : i32
    %c0_i32_0 = arith.constant 0 : i32
    return %arg0, %c0_i32 : i32, i32
  }
  func.func @transform_3(%arg0: i32, %arg1: i32) -> (i32, i32) {
    %c0_i32 = arith.constant 0 : i32
    %c0_i32_0 = arith.constant 0 : i32
    %c0_i32_1 = arith.constant 0 : i32
    return %c0_i32, %c0_i32_0 : i32, i32
  }
  func.func @transform_4(%arg0: i32, %arg1: i32) -> (i32, i32) {
    %c0_i32 = arith.constant 0 : i32
    %c0_i32_0 = arith.constant 0 : i32
    %c0_i32_1 = arith.constant 0 : i32
    return %c0_i32, %c0_i32_0 : i32, i32
  }
  func.func @transform_5(%arg0: i32, %arg1: i32) -> (i32, i32) {
    %c0_i32 = arith.constant 0 : i32
    %c0_i32_0 = arith.constant 0 : i32
    %c0_i32_1 = arith.constant 0 : i32
    return %c0_i32, %c0_i32_0 : i32, i32
  }
  func.func @transform_6(%arg0: i32, %arg1: i32) -> (i32, i32) {
    %mul3A = arith.constant 10 : i32
    %mul3A_0 = arith.muli %arg1, %mul3A : i32
    %add3A = arith.addi %mul3A_0, %arg0 : i32
    %c0_i32 = arith.constant 0 : i32
    %c0_i32_1 = arith.constant 0 : i32
    return %add3A, %c0_i32 : i32, i32
  }
  func.func @transform_7(%arg0: i32, %arg1: i32) -> (i32, i32) {
    %c0_i32 = arith.constant 0 : i32
    %c0_i32_0 = arith.constant 0 : i32
    %c0_i32_1 = arith.constant 0 : i32
    return %c0_i32, %c0_i32_0 : i32, i32
  }
}

module attributes {stable_mosaic.version = 14 : i64} {
  func.func @_post_body(%arg0: i32, %arg1: memref<1000x128xf32, #tpu.memory_space<vmem>>, %arg2: memref<1000x128xf32, #tpu.memory_space<vmem>>, %arg3: memref<1000x1xf32, #tpu.memory_space<vmem>>, %arg4: memref<1000x128xf32, #tpu.memory_space<vmem>>, %arg5: memref<128x128xf32, #tpu.memory_space<vmem>>, %arg6: memref<1000x256xf32, #tpu.memory_space<vmem>>) attributes {dimension_semantics = [#tpu.dimension_semantics<arbitrary>], iteration_bounds = array<i64: 10>, scalar_prefetch = 0 : i64, scratch_operands = 0 : i64, tpu.core_type = #tpu.core_type<tc>, window_params = [{transform_indices = @transform_0, window_bounds = array<i64: 1000, 128>}, {transform_indices = @transform_1, window_bounds = array<i64: 1000, 128>}, {transform_indices = @transform_2, window_bounds = array<i64: 1000, 1>}, {transform_indices = @transform_3, window_bounds = array<i64: 1000, 128>}, {pipeline_mode = #tpu.pipeline_mode<synchronous>, transform_indices = @transform_4, window_bounds = array<i64: 128, 128>}, {transform_indices = @transform_5, window_bounds = array<i64: 1000, 256>}]} {
    %get3A = arith.constant 0 : index
    %get3A_0 = arith.constant 0 : index
    %get3A_1 = vector.load %arg1[%get3A, %get3A_0] : memref<1000x128xf32, #tpu.memory_space<vmem>>, vector<1000x128xf32>
    %get3A_2 = arith.constant 0 : index
    %get3A_3 = arith.constant 0 : index
    %get3A_4 = vector.load %arg2[%get3A_2, %get3A_3] : memref<1000x128xf32, #tpu.memory_space<vmem>>, vector<1000x128xf32>
    %add3A = arith.addf %get3A_1, %get3A_4 : vector<1000x128xf32>
    %get3A_5 = arith.constant 0 : index
    %get3A_6 = arith.constant 0 : index
    %get3A_7 = vector.load %arg3[%get3A_5, %get3A_6] : memref<1000x1xf32, #tpu.memory_space<vmem>>, vector<1000x1xf32>
    %max3A = arith.constant 1.000000e+00 : f32
    %max3A_8 = vector.broadcast %max3A : f32 to vector<1000x1xf32>
    %max3A_9 = arith.maximumf %get3A_7, %max3A_8 : vector<1000x1xf32>
    %div3A = arith.constant 1.000000e+00 : f32
    %div3A_10 = vector.broadcast %div3A : f32 to vector<1000x1xf32>
    %div3A_11 = arith.divf %div3A_10, %max3A_9 : vector<1000x1xf32>
    %get3A_12 = arith.constant 0 : index
    %get3A_13 = arith.constant 0 : index
    %get3A_14 = vector.load %arg4[%get3A_12, %get3A_13] : memref<1000x128xf32, #tpu.memory_space<vmem>>, vector<1000x128xf32>
    %mul3A = vector.broadcast %div3A_11 : vector<1000x1xf32> to vector<1000x128xf32>
    %mul3A_15 = arith.mulf %add3A, %mul3A : vector<1000x128xf32>
    %convert_element_type3A = arith.truncf %get3A_14 : vector<1000x128xf32> to vector<1000x128xbf16>
    %get3A_16 = arith.constant 0 : index
    %get3A_17 = arith.constant 0 : index
    %get3A_18 = vector.load %arg5[%get3A_16, %get3A_17] : memref<128x128xf32, #tpu.memory_space<vmem>>, vector<128x128xf32>
    %convert_element_type3A_19 = arith.truncf %get3A_18 : vector<128x128xf32> to vector<128x128xbf16>
    %dot_general3A = arith.constant dense<0.000000e+00> : vector<1000x128xf32>
    %dot_general3A_20 = tpu.matmul %convert_element_type3A, %convert_element_type3A_19, %dot_general3A {dimension_numbers = #tpu.dot_dimension_numbers<[1], [0], [0], [1], [0, 0, 1, 1], [], []>, transpose_lhs_hint = false} : vector<1000x128xbf16>, vector<128x128xbf16>, vector<1000x128xf32> -> vector<1000x128xf32>
    %add3A_21 = arith.addf %mul3A_15, %dot_general3A_20 : vector<1000x128xf32>
    %swap3A = arith.constant 0 : index
    %swap3A_22 = arith.constant 0 : index
    %swap3A_23 = vector.load %arg6[%swap3A, %swap3A_22] : memref<1000x256xf32, #tpu.memory_space<vmem>>, vector<1000x128xf32>
    tpu.vector_store %arg6[%swap3A, %swap3A_22], %get3A_14 {strides = array<i32>} : memref<1000x256xf32, #tpu.memory_space<vmem>>, vector<1000x128xf32>,
    %swap3A_24 = arith.constant 0 : index
    %swap3A_25 = arith.constant 128 : index
    %swap3A_26 = vector.load %arg6[%swap3A_24, %swap3A_25] : memref<1000x256xf32, #tpu.memory_space<vmem>>, vector<1000x128xf32>
    tpu.vector_store %arg6[%swap3A_24, %swap3A_25], %add3A_21 {strides = array<i32>} : memref<1000x256xf32, #tpu.memory_space<vmem>>, vector<1000x128xf32>,
    return
  }
  func.func @transform_0(%arg0: i32) -> (i32, i32) {
    %c0_i32 = arith.constant 0 : i32
    %c0_i32_0 = arith.constant 0 : i32
    return %arg0, %c0_i32 : i32, i32
  }
  func.func @transform_1(%arg0: i32) -> (i32, i32) {
    %c0_i32 = arith.constant 0 : i32
    %c0_i32_0 = arith.constant 0 : i32
    return %arg0, %c0_i32 : i32, i32
  }
  func.func @transform_2(%arg0: i32) -> (i32, i32) {
    %c0_i32 = arith.constant 0 : i32
    %c0_i32_0 = arith.constant 0 : i32
    return %arg0, %c0_i32 : i32, i32
  }
  func.func @transform_3(%arg0: i32) -> (i32, i32) {
    %c0_i32 = arith.constant 0 : i32
    %c0_i32_0 = arith.constant 0 : i32
    return %arg0, %c0_i32 : i32, i32
  }
  func.func @transform_4(%arg0: i32) -> (i32, i32) {
    %c0_i32 = arith.constant 0 : i32
    %c0_i32_0 = arith.constant 0 : i32
    %c0_i32_1 = arith.constant 0 : i32
    return %c0_i32, %c0_i32_0 : i32, i32
  }
  func.func @transform_5(%arg0: i32) -> (i32, i32) {
    %c0_i32 = arith.constant 0 : i32
    %c0_i32_0 = arith.constant 0 : i32
    return %arg0, %c0_i32 : i32, i32
  }
}

</mosaic_0001>

<sc_bundles>
// kernel: kernel.5.cloned.1.call-start
scs
__scs_entry_jumppad:
0x0: {  	(pc) =	sbr.rel $0x88, $3  }
0x1: {  	(tag) =	ssettag $0x0;
	lr =	simm.s32 $0x1  }
0x2: {  	[smem:$0x3F98] =	sst lr;
	_ =	strace $0xD0000000  }
0x3: {  	_ = 	snop  }
0x4: {  	_ = 	snop  }
0x5: {  	_ = 	snop  }
0x6: {  	_ = 	snop  }
0x7: {  	_ = 	snop  }
__scs_overlays_trampoline_lowered:
0x8: {  	[smem:$0x3FA7] =	sst s0  }
0x9: {  	[smem:$0x3FA8] =	sst s1  }
0xa: {  	[smem:$0x3FA9] =	sst s2  }
0xb: {  	[smem:$0x3FAA] =	sst s3  }
0xc: {  	[smem:$0x3FAB] =	sst s4  }
0xd: {  	[smem:$0x3FAC] =	sst s5  }
0xe: {  	[smem:$0x3FAD] =	sst s6  }
0xf: {  	[smem:$0x3FAE] =	sst s7  }
0x10: {  	[smem:$0x3FAF] =	sst s8  }
0x11: {  	[smem:$0x3FB0] =	sst s9;
	s0 =	simm.s32 @!p0 $0x0  }
0x12: {  	s1 =	sld [smem:$0x3F96];
	s0 =	simm.s32 @p0 $0x1  }
0x13: {  	[smem:$0x3FB1] =	sst s0;
	s0 =	simm.s32 @!p1 $0x0  }
0x14: {  	s2 =	sld [smem:$0x3F95];
	s0 =	simm.s32 @p1 $0x1  }
0x15: {  	[smem:$0x3FB2] =	sst s0;
	s0 =	simm.s32 @!p2 $0x0  }
0x16: {  	s3 =	sld [smem:$0x3FDB];
	s0 =	simm.s32 @p2 $0x1  }
0x17: {  	s4 =	simm.s32 $0x1BF5;
	[smem:$0x3FB4] =	sst s0  }
0x18: {  	s0 =	sld [smem:$0x3F97];
	_ =	swait.ge [sflag:s4], $0x0  }
0x19: {  	s7 =	sld [smem:$0x3F98]  }
0x1a: {  	s8 =	sadd.s32 $0xFFFFE003, lr  }
0x1b: {  	s9 =	sadd.s32 $0xFFFFFEF7, lr;
	s5 =	simm.s32 $0xFFFFFFFF;
	p2 =	slt.u32 s8, $0xFFFFF086  }
0x1c: {  	p1 =	slt.u32 s9, $0xF7A;
	s5 =	simm.s32 @!p2 $0x0  }
0x1d: {  	s5 =	simm.s32 @p1 $0x1;
	p0 =	seq.s32 s7, s2  }
0x1e: {  	s7 =	smul.u32 @!p0 $0xF7A, s2;
	p2 =	seq.s32 @!p0 s5, $0x0  }
0x1f: {  	s9 =	smul.u32 $0xF7A, s1;
	s8 =	simm.s32 @!p0 $0x1BF5;
	p2 =	por !p2, p0  }
0x20: {  	[sflag:s8] =	ssyncset.s32 @!p0 $0xFFFFF086;
	s6 =	sadd.s32 @!p0 s3, s7;
	s7 =	simm.s32 @!p0 $0x108  }
0x21: {  	s3 =	sadd.s32 s3, s9;
	s6 =	sadd.s32 @!p0 $0x88, s6;
	s7 =	simm.s32 @p2 $0x1082  }
0x22: {  	[simem:s7], [sflag:s8] =	dma.local @!p0 [hbm:s6], $0xF7A  }
0x23: {  	s9 =	sor.u32 $0xD0000000, s2;
	s6 =	simm.s32 $0x108;
	_ =	swait.ge @!p0 [sflag:s8], $0x0  }
0x24: {  	s3 =	sadd.s32 $0x88, s3;
	s6 =	simm.s32 @!p1 $0x1082;
	[sflag:s4] =	ssyncset.s32 $0xFFFFF086  }
0x25: {  	[simem:s6], [sflag:s4] =	dma.local [hbm:s3], $0xF7A  }
0x26: {  	[smem:$0x3F98] =	sst s1;
	(tag) =	ssettag s2;
	_ =	strace s9  }
0x27: {  	s1 =	sld [smem:$0x3FA8]  }
0x28: {  	s2 =	sld [smem:$0x3FA9]  }
0x29: {  	s4 =	sld [smem:$0x3FAB]  }
0x2a: {  	p0 =	seq.s32 s5, $0x0;
	s5 =	sld [smem:$0x3FAC]  }
0x2b: {  	s6 =	sld [smem:$0x3FAD]  }
0x2c: {  	s7 =	sld [smem:$0x3FAE]  }
0x2d: {  	s3 =	simm.s32 $0x108;
	s8 =	sld [smem:$0x3FAF]  }
0x2e: {  	s3 =	simm.s32 @!p0 $0x1082;
	s9 =	sld [smem:$0x3FB0]  }
0x2f: {  	lr =	sadd.s32 s0, s3;
	s0 =	sld [smem:$0x3FA7]  }
0x30: {  	s3 =	sld [smem:$0x3FAA]  }
0x31: {  	[smem:$0x3FB3] =	sst s10  }
0x32: {  	s10 =	sld [smem:$0x3FB1];
	_ =	sdelay $0x3  }
0x33: {  	p0 =	seq.s32 s10, $0x1;
	s10 =	sld [smem:$0x3FB3];
	_ =	sdelay $0x3  }
0x34: {  	[smem:$0x3FB3] =	sst s10  }
0x35: {  	s10 =	sld [smem:$0x3FB2];
	_ =	sdelay $0x3  }
0x36: {  	p1 =	seq.s32 s10, $0x1;
	s10 =	sld [smem:$0x3FB3];
	_ =	sdelay $0x3  }
0x37: {  	[smem:$0x3FB3] =	sst s10  }
0x38: {  	s10 =	sld [smem:$0x3FB4]  }
0x39: {  	_ = 	snop;
	(pc) =	sbr.ind lr, $3  }
0x3a: {  	_ = 	snop  }
0x3b: {  	_ = 	snop  }
0x3c: {  	p2 =	seq.s32 s10, $0x1;
	s10 =	sld [smem:$0x3FB3]  }
0x3d: {  	_ =	shalt  }
0x3e: {  	_ =	shalt  }
0x3f: {  	_ =	shalt  }
0x40: {  	_ =	shalt  }
0x41: {  	_ =	shalt  }
0x42: {  	_ =	shalt  }
0x43: {  	_ =	shalt  }
0x44: {  	_ =	shalt  }
0x45: {  	_ =	shalt  }
0x46: {  	_ =	shalt  }
0x47: {  	_ =	shalt  }
0x48: {  	_ =	shalt  }
0x49: {  	_ =	shalt  }
0x4a: {  	_ =	shalt  }
0x4b: {  	_ =	shalt  }
0x4c: {  	_ =	shalt  }
0x4d: {  	_ =	shalt  }
0x4e: {  	_ =	shalt  }
0x4f: {  	_ =	shalt  }
0x50: {  	_ =	shalt  }
0x51: {  	_ =	shalt  }
0x52: {  	_ =	shalt  }
0x53: {  	_ =	shalt  }
0x54: {  	_ =	shalt  }
0x55: {  	_ =	shalt  }
0x56: {  	_ =	shalt  }
0x57: {  	_ =	shalt  }
0x58: {  	_ =	shalt  }
0x59: {  	_ =	shalt  }
0x5a: {  	_ =	shalt  }
0x5b: {  	_ =	shalt  }
0x5c: {  	_ =	shalt  }
0x5d: {  	_ =	shalt  }
0x5e: {  	_ =	shalt  }
0x5f: {  	_ =	shalt  }
0x60: {  	_ =	shalt  }
0x61: {  	_ =	shalt  }
0x62: {  	_ =	shalt  }
0x63: {  	_ =	shalt  }
0x64: {  	_ =	shalt  }
0x65: {  	_ =	shalt  }
0x66: {  	_ =	shalt  }
0x67: {  	_ =	shalt  }
0x68: {  	_ =	shalt  }
0x69: {  	_ =	shalt  }
0x6a: {  	_ =	shalt  }
0x6b: {  	_ =	shalt  }
0x6c: {  	_ =	shalt  }
0x6d: {  	_ =	shalt  }
0x6e: {  	_ =	shalt  }
0x6f: {  	_ =	shalt  }
0x70: {  	_ =	shalt  }
0x71: {  	_ =	shalt  }
0x72: {  	_ =	shalt  }
0x73: {  	_ =	shalt  }
0x74: {  	_ =	shalt  }
0x75: {  	_ =	shalt  }
0x76: {  	_ =	shalt  }
0x77: {  	_ =	shalt  }
0x78: {  	_ =	shalt  }
0x79: {  	_ =	shalt  }
0x7a: {  	_ =	shalt  }
0x7b: {  	_ =	shalt  }
0x7c: {  	_ =	shalt  }
0x7d: {  	_ =	shalt  }
0x7e: {  	_ =	shalt  }
0x7f: {  	_ =	shalt  }
0x80: {  	_ =	shalt  }
0x81: {  	_ =	shalt  }
0x82: {  	_ =	shalt  }
0x83: {  	_ =	shalt  }
0x84: {  	_ =	shalt  }
0x85: {  	_ =	shalt  }
0x86: {  	_ =	shalt  }
0x87: {  	_ =	shalt  }
.Lfunc_end0:
.L_simem_size_0:
called_computation_lowered:
.L_overlay_start_0:
0x88: {  	s2 =	sld [smem:$0x3FD9]  }
0x89: {  	s3 =	sld [smem:$0x3FFE];
	_ =	sdelay $0x1  }
0x8a: {  	s1 =	srdreg.scid  }
0x8b: {  	s0 =	sand.u32 $0x1, s1  }
0x8c: {  	s14 =	sshll.u32 s0, $0xA;
	s2 =	sadd.s32 s3, s2  }
0x8d: {  	s2 =	sadd.s32 s2, s14  }
0x8e: {  	[smem:$0x3FBF] =	sst s2  }
0x8f: {  	_ = 	snop  }
0x90: {  	s2 =	sld [smem:$0x3FD0];
	_ =	sdelay $0x2  }
0x91: {  	s15 =	simm.s32 $0xA;
	s4 =	simm.s32 $0x10  }
0x92: {  	[smem:s4], [sflag:s15] =	dma.local [hbm:s2], $0x1  }
0x93: {  	_ =	swait.eq [sflag:s15], $0x1  }
0x94: {  	[sflag:s15] =	ssyncset.done $0x0  }
0x95: {  	[sflag:s15] =	ssyncadd.s32 $0xFFFFFFFF  }
0x96: {  	s16 =	sld [smem:$0x11];
	(tm) =	ssettm $0x1  }
0x97: {  	s17 =	sld [smem:$0x3FFB];
	_ =	sdelay $0x3  }
0x98: {  	_ =	strace s17  }
0x99: {  	s3 =	sld [smem:$0x3FFC];
	_ =	sdelay $0x3  }
0x9a: {  	_ =	strace s3  }
0x9b: {  	s3 =	sld [smem:$0x3FFD];
	_ =	sdelay $0x3  }
0x9c: {  	_ =	strace s3  }
0x9d: {  	_ =	strace $0x8FFFFFFF  }
0x9e: {  	s18 =	sld [smem:$0x3FDB];
	_ =	sdelay $0x1  }
0x9f: {  	s19 =	simm.s32 $_scs_section_size  }
0xa0: {  	s5 =	simm.s32 $_size__tile_overlayer_lowered;
	s6 =	simm.s32 $_tile_overlayer_lowered  }
0xa1: {  	s22 =	simm.s32 $0x1BFF;
	s21 =	sshll.u32 s6, $0x1;
	s3 =	sadd.s32 s19, s18  }
0xa2: {  	s7 =	simm.s32 $0x0;
	s20 =	sshll.u32 s5, $0x1;
	s5 =	sadd.s32 s21, s3  }
0xa3: {  	[timem:s7], [sflag:s22] =	dma.local [hbm:s5], s20  }
0xa4: {  	_ =	swait.ge [sflag:s22], s20  }
0xa5: {  	s4 =	ssub.s32 $0x0, s20;
	[sflag:s22] =	ssyncset.done $0x0  }
0xa6: {  	[sflag:s22] =	ssyncadd.s32 s4;
	_ =	sdelay $0x1  }
0xa7: {  	s23 =	simm.s32 $0x1B8B  }
0xa8: {  	_ =	swait.ge [sflag:s23], $0x1  }
0xa9: {  	[sflag:s23] =	ssyncset.done $0x0  }
0xaa: {  	s25 =	simm.s32 $0x1B8E;
	s24 =	sld [smem:$0x3FFE];
	[sflag:s23] =	ssyncadd.s32 $0xFFFFFFFF  }
0xab: {  	s26 =	simm.s32 $execute0_lowered;
	[smem:$0x3FD2] =	sst s25  }
0xac: {  	s5 =	sshll.u32 s26, $0x1;
	_ =	strace $0x80000046;
	[dreg:$0x1] =	wrdreg $0xFFFFFFFF  }
0xad: {  	s28 =	simm.s32 $_size_execute0_lowered;
	s3 =	sadd.s32 s3, s5;
	[dreg:$0x0] =	wrdreg $0x0  }
0xae: {  	s5 =	sshll.u32 s28, $0x1;
	[dreg:$0x2] =	wrdreg s3  }
0xaf: {  	[dreg:$0x3] =	wrdreg s5  }
0xb0: {  	[dreg:$0x4] =	wrdreg $0xC0  }
0xb1: {  	_ =	task [dreg:s7], $0x5FFFF  }
0xb2: {  	[dreg:$0x1] =	wrdreg $0xFFFFFFFF  }
0xb3: {  	[dreg:$0x0] =	wrdreg $0x60  }
0xb4: {  	[dreg:$0x2] =	wrdreg s24  }
0xb5: {  	[dreg:$0x3] =	wrdreg s16  }
0xb6: {  	[dreg:$0x4] =	wrdreg $0x85000  }
0xb7: {  	[dreg:$0x5] =	wrdreg $0x1C5000  }
0xb8: {  	[dreg:$0x6] =	wrdreg $0x9  }
0xb9: {  	_ =	task.clear_ibuf [dreg:s7], $0x7FFFF;
	_ =	strace $0x90000046  }
0xba: {  	s29 =	simm.s32 $0x9;
	_ =	strace $0x80000048  }
0xbb: {  	_ =	swait.ge [sflag:s29], $0x1  }
0xbc: {  	[sflag:s29] =	ssyncadd.s32 $0xFFFFFFFF  }
0xbd: {  	_ =	strace $0x90000048  }
0xbe: {  	_ =	sfence  }
0xbf: {  	s30 =	sld [smem:$0x0];
	_ =	sdelay $0x2  }
0xc0: {  	s31 =	sshll.u32 s1, $0xD;
	s1 =	sshrl.u32 s1, $0x2  }
0xc1: {  	s3 =	sand.u32 $0x4000, s31;
	s1 =	sadd.s32 s1, s30  }
0xc2: {  	s0 =	sor.u32 s3, s0;
	s1 =	sshll.u32 s1, $0x11  }
0xc3: {  	s0 =	sor.u32 s1, s0  }
0xc4: {  	s0 =	sadd.s32 $0x8F2B, s0  }
0xc5: {  	[sflag:s0] =	ssyncadd.remote.s32 $0x1  }
0xc6: {  	_ =	sfence.sel $0xFFFF  }
0xc7: {  	[dreg:$0x0] =	wrdreg $0xFFFFFFFF;
	(pc) =	sbr.abs _section_cstart, $3  }
0xc8: {  	[dreg:$0x1] =	wrdreg $0xFFFFFFFF  }
0xc9: {  	_ =	task.clear_ibuf [dreg:s7], $0x2FFFF;
	_ =	strace $0x9FFFFFFF  }
0xca: {  	(tm) =	ssettm $0x7FFFFFFF  }
0xcb: {  	_ =	shalt  }
tec
execute0_lowered:
.L_overlay_start_1:
0x0: {  	(tag) =	ssettag $0x1  }
0x1: {  	s0 =	rddreg [dreg:$0x0]  }
0x2: {  	s5 =	rddreg [dreg:$0x1]  }
0x3: {  	s1 =	rddreg [dreg:$0x2]  }
0x4: {  	s2 =	rddreg [dreg:$0x3];
	s3 =	simm.s32 $0x0  }
0x5: {  	s6 =	srdreg.scid;
	s13 =	stileid.u32;
	s23 =	simm.s32 $0x1  }
0x6: {  	s24 =	simm.s32 $0x80;
	s28 =	simm.s32 $0x3;
	s29 =	simm.s32 $0x8200  }
0x7: {  	s30 =	simm.s32 $0x4;
	s31 =	simm.s32 $0x180;
	[smem:$0x7FF] =	sst s3  }
0x8: {  	s4 =	sadd.s32 $0x15A00, s0;
	s15 =	sadd.s32 $0x287600, s0;
	s7 =	smul.u32 $0x50000, s13  }
0x9: {  	s17 =	sadd.s32 $0x1A00, s0;
	s16 =	sadd.s32 $0x286A00, s0;
	s18 =	smul.u32 $0x14000, s13  }
0xa: {  	s14 =	sand.u32 $0x1, s6;
	s0 =	sadd.s32 $0x287000, s0;
	s20 =	smul.u32 $0x280, s13  }
0xb: {  	s22 =	smul.u32 $0x50, s13;
	_ =	strace $0x80000047;
	s6 =	ssub.s32 $0x2, s14  }
0xc: {  	s9 =	sshll.u32 s14, $0x4;
	s21 =	smul.u32 $0x500, s14;
	p0 =	seq.s32 s14, $0x1  }
0xd: {  	s8 =	sshrl.u32 s6, $0x1;
	s9 =	sor.u32 s13, s9;
	s7 =	sshrl.u32 s7, $0x2  }
0xe: {  	s11 =	sadd.s32 s20, s2;
	s20 =	sshrl.u32 s20, $0x3;
	s5 =	smov.u32 @p0 s15  }
0xf: {  	s16 =	smov.u32 @p0 s0;
	s19 =	ssub.s32 s6, s8;
	s6 =	sadd.s32 s18, s1  }
0x10: {  	s10 =	sadd.s32 s7, s1;
	s12 =	smul.u32 $0xA00, s9;
	s18 =	sshrl.u32 s18, $0x3  }
0x11: {  	s25 =	sadd.s32 s22, s21;
	s16 =	sadd.s32 s16, s20;
	s20 =	simm.s32 $0x5  }
0x12: {  	s22 =	simm.s32 $0x100;
	s7 =	sadd.s32 $0x4000, s10;
	s8 =	sadd.s32 $0x8000, s10  }
0x13: {  	s9 =	sadd.s32 $0xC000, s10;
	s10 =	sadd.s32 $0x10000, s10;
	s14 =	smax.u32 s19, $0x1  }
0x14: {  	s26 =	sshll.u32 s25, $0x5;
	s15 =	sadd.s32 s5, s18;
	s19 =	simm.s32 $0x200  }
0x15: {  	s25 =	simm.s32 $0x2;
	[dreg:$0x5] =	wrdreg s7;
	s12 =	sadd.s32 s17, s12  }
0x16: {  	s0 =	sadd.s32 s26, s17;
	s26 =	simm.s32 $0x4200;
	s13 =	sadd.s32 $0x20, s12  }
0x17: {  	v0 =	vimm.f32 $1.000000000e+00;
	v1 =	vimm.f32 $0.0e+00;
	s17 =	sadd.s32 $0x60, s0;
	s18 =	sadd.s32 $0x40, s0;
	s0 =	simm.s32 $0x0  }
.LBB2_1:
0x18: {  	[tilespmem:$0x8200] =	vst v0  }
0x19: {  	[tilespmem:$0x8210] =	vst v0  }
0x1a: {  	[tilespmem:$0x8220] =	vst v0  }
0x1b: {  	[tilespmem:$0x8230] =	vst v0  }
0x1c: {  	[tilespmem:$0x8240] =	vst v0  }
0x1d: {  	[tilespmem:$0x8250] =	vst v0  }
0x1e: {  	[tilespmem:$0x8260] =	vst v0  }
0x1f: {  	[tilespmem:$0x8270] =	vst v0;
	s5 =	simm.s32 $0x0;
	s21 =	simm.s32 $0x200  }
.LBB2_2:
0x20: {  	p0 =	sne.s32 s21, $0xFE00;
	[tilespmem:s5+$0x270] =	vst v1  }
0x21: {  	[tilespmem:s5+$0x200] =	vst v1  }
0x22: {  	[tilespmem:s5+$0x210] =	vst v1  }
.Ltmp0:
0x23: {  	[tilespmem:s5+$0x220] =	vst v1;
	(pc) =	sbr.rel @p0 .LBB2_2-.Ltmp0, $4  }
0x24: {  	[tilespmem:s5+$0x230] =	vst v1  }
0x25: {  	[tilespmem:s5+$0x240] =	vst v1  }
0x26: {  	[tilespmem:s5+$0x250] =	vst v1  }
0x27: {  	[tilespmem:s5+$0x260] =	vst v1;
	s5 =	sshra.s32 s21, $0x2;
	s21 =	sadd.s32 $0x200, s21  }
0x28: {  	[tilespmem:s5+$0x270] =	vst v1  }
0x29: {  	[tilespmem:s5+$0x200] =	vst v1  }
0x2a: {  	[tilespmem:s5+$0x210] =	vst v1  }
0x2b: {  	[tilespmem:s5+$0x220] =	vst v1  }
0x2c: {  	[tilespmem:s5+$0x230] =	vst v1  }
0x2d: {  	[tilespmem:s5+$0x240] =	vst v1  }
0x2e: {  	[tilespmem:s5+$0x250] =	vst v1  }
0x2f: {  	[tilespmem:s5+$0x260] =	vst v1  }
0x30: {  	[tilespmem:$0x8280] =	vst v1  }
0x31: {  	[tilespmem:$0x8290] =	vst v1  }
0x32: {  	[tilespmem:$0x82A0] =	vst v1  }
0x33: {  	[tilespmem:$0x82B0] =	vst v1  }
0x34: {  	[tilespmem:$0x82C0] =	vst v1  }
0x35: {  	[tilespmem:$0x82D0] =	vst v1  }
0x36: {  	[tilespmem:$0x82E0] =	vst v1  }
0x37: {  	[tilespmem:$0x82F0] =	vst v1  }
0x38: {  	[tilespmem:$0x8300] =	vst v1  }
0x39: {  	[tilespmem:$0x8310] =	vst v1  }
0x3a: {  	[tilespmem:$0x8320] =	vst v1  }
0x3b: {  	[tilespmem:$0x8330] =	vst v1  }
0x3c: {  	[tilespmem:$0x8340] =	vst v1  }
0x3d: {  	[tilespmem:$0x8350] =	vst v1  }
0x3e: {  	[tilespmem:$0x8360] =	vst v1  }
0x3f: {  	[tilespmem:$0x8370] =	vst v1  }
0x40: {  	[tilespmem:$0x8380] =	vst v1  }
0x41: {  	[tilespmem:$0x8390] =	vst v1  }
0x42: {  	[tilespmem:$0x83A0] =	vst v1  }
0x43: {  	[tilespmem:$0x83B0] =	vst v1  }
0x44: {  	[tilespmem:$0x83C0] =	vst v1  }
0x45: {  	[tilespmem:$0x83D0] =	vst v1  }
0x46: {  	[tilespmem:$0x83E0] =	vst v1  }
0x47: {  	[tilespmem:$0x83F0] =	vst v1  }
0x48: {  	[tilespmem:$0x8400] =	vst v1  }
0x49: {  	[tilespmem:$0x8410] =	vst v1  }
0x4a: {  	[tilespmem:$0x8420] =	vst v1  }
0x4b: {  	[tilespmem:$0x8430] =	vst v1  }
0x4c: {  	[tilespmem:$0x8440] =	vst v1  }
0x4d: {  	[tilespmem:$0x8450] =	vst v1  }
0x4e: {  	[tilespmem:$0x8460] =	vst v1  }
0x4f: {  	[tilespmem:$0x8470] =	vst v1  }
0x50: {  	[tilespmem:$0x8480] =	vst v1  }
0x51: {  	[tilespmem:$0x8490] =	vst v1  }
0x52: {  	[tilespmem:$0x84A0] =	vst v1  }
0x53: {  	[tilespmem:$0x84B0] =	vst v1  }
0x54: {  	[tilespmem:$0x84C0] =	vst v1  }
0x55: {  	[tilespmem:$0x84D0] =	vst v1  }
0x56: {  	[tilespmem:$0x84E0] =	vst v1  }
0x57: {  	[tilespmem:$0x84F0] =	vst v1  }
0x58: {  	[spmem:s6] =	stream.linear.scatter [tilespmem:s19], [sflag:$0x5], $0x4000, $0x38;
	[tilespmem:$0x1C780] =	vst v63  }
0x59: {  	_ =	swait.ge [sflag:s20], $0x4000  }
0x5a: {  	[sflag:s20] =	ssyncset.done $0x0  }
0x5b: {  	s7 =	rddreg [dreg:$0x5];
	[sflag:s20] =	ssyncadd.s32 $0xFFFFC000  }
0x5c: {  	[spmem:s7] =	stream.linear.scatter [tilespmem:s19], [sflag:$0x5], $0x4000, $0x38;
	[tilespmem:$0x1C780] =	vst v63  }
0x5d: {  	_ =	swait.ge [sflag:s20], $0x4000  }
0x5e: {  	[sflag:s20] =	ssyncset.done $0x0  }
0x5f: {  	[sflag:s20] =	ssyncadd.s32 $0xFFFFC000  }
0x60: {  	[spmem:s8] =	stream.linear.scatter [tilespmem:s19], [sflag:$0x5], $0x4000, $0x38;
	[tilespmem:$0x1C780] =	vst v63  }
0x61: {  	_ =	swait.ge [sflag:s20], $0x4000  }
0x62: {  	[sflag:s20] =	ssyncset.done $0x0  }
0x63: {  	[sflag:s20] =	ssyncadd.s32 $0xFFFFC000  }
0x64: {  	[spmem:s9] =	stream.linear.scatter [tilespmem:s19], [sflag:$0x5], $0x4000, $0x38;
	[tilespmem:$0x1C780] =	vst v63  }
0x65: {  	_ =	swait.ge [sflag:s20], $0x4000  }
0x66: {  	[sflag:s20] =	ssyncset.done $0x0  }
0x67: {  	[sflag:s20] =	ssyncadd.s32 $0xFFFFC000  }
0x68: {  	[spmem:s10] =	stream.linear.scatter [tilespmem:s19], [sflag:$0x5], $0x4000, $0x38;
	[tilespmem:$0x1C780] =	vst v63  }
0x69: {  	_ =	swait.ge [sflag:s20], $0x4000  }
0x6a: {  	[sflag:s20] =	ssyncset.done $0x0  }
0x6b: {  	s21 =	simm.s32 $0x8280;
	[sflag:s20] =	ssyncadd.s32 $0xFFFFC000  }
0x6c: {  	[spmem:s11] =	stream.linear.scatter [tilespmem:s21], [sflag:$0x5], $0x280, $0x38;
	[tilespmem:$0x1C780] =	vst v63  }
0x6d: {  	_ =	swait.ge [sflag:s20], $0x280  }
0x6e: {  	[sflag:s20] =	ssyncset.done $0x0  }
0x6f: {  	[sflag:s20] =	ssyncadd.s32 $0xFFFFFD80  }
0x70: {  	s7 =	simm.s32 $0x0;
	[bflag:$0x0] =	sbarrier.arrive $0xFFFF  }
0x71: {  	[tilespmem:s7], [sflag:$0x1] =	stream.linear.gather [hbm4b:s12+s7], $0x100, $0x38;
	[tilespmem:$0x1C780] =	vst v63  }
0x72: {  	_ = 	snop  }
0x73: {  	[tilespmem:s22], [sflag:$0x2] =	stream.linear.gather [hbm4b:s13+s7], $0x100, $0x38;
	[tilespmem:$0x1C780] =	vst v63  }
0x74: {  	_ =	swait.ge [sflag:s23], $0x100  }
0x75: {  	[sflag:s23] =	ssyncset.done $0x0  }
0x76: {  	[sflag:s23] =	ssyncadd.s32 $0xFFFFFF00  }
0x77: {  	[tilespmem:s19], [sflag:$0x3] =	stream.indirect.gather [hbm4b:s4+s24], $0x80, s7, s24, $0xb8;
	[tilespmem:$0x1C780] =	vst v63  }
0x78: {  	_ =	swait.ge [sflag:s25], $0x100  }
0x79: {  	[sflag:s25] =	ssyncset.done $0x0  }
0x7a: {  	[sflag:s25] =	ssyncadd.s32 $0xFFFFFF00  }
0x7b: {  	[tilespmem:s26], [sflag:$0x4] =	stream.indirect.gather [hbm4b:s4+s24], $0x80, s22, s24, $0xb8;
	[tilespmem:$0x1C780] =	vst v63  }
0x7c: {  	_ =	swait.ge [sflag:s28], $0x4000  }
0x7d: {  	[sflag:s28] =	ssyncset.done $0x0  }
0x7e: {  	[sflag:s28] =	ssyncadd.s32 $0xFFFFC000  }
0x7f: {  	[spmem:s1] =	stream.indirect.scatter.add.f32 [tilespmem:s19], [sflag:$0x5], $0x80, s24, s24, $0xb8;
	[tilespmem:$0x1C780] =	vst v63  }
0x80: {  	_ =	swait.ge [sflag:s20], $0x4000  }
0x81: {  	[sflag:s20] =	ssyncset.done $0x0  }
0x82: {  	[sflag:s20] =	ssyncadd.s32 $0xFFFFC000  }
0x83: {  	[spmem:s2] =	stream.indirect.scatter.add.f32 [tilespmem:s29], [sflag:$0x5], $0x1, s24, s24, $0xb8;
	[tilespmem:$0x1C780] =	vst v63  }
0x84: {  	_ =	swait.ge [sflag:s20], $0x80  }
0x85: {  	[sflag:s20] =	ssyncset.done $0x0  }
0x86: {  	s21 =	sadd.s32 $0x0, s18;
	[sflag:s20] =	ssyncadd.s32 $0xFFFFFF80  }
0x87: {  	[tilespmem:s3], [sflag:$0x1] =	stream.linear.gather [hbm4b:s21+s3], $0x100, $0x38;
	[tilespmem:$0x1C780] =	vst v63  }
0x88: {  	_ =	swait.ge [sflag:s23], $0x100  }
0x89: {  	[sflag:s23] =	ssyncset.done $0x0  }
0x8a: {  	[sflag:s23] =	ssyncadd.s32 $0xFFFFFF00  }
0x8b: {  	[tilespmem:s19], [sflag:$0x3] =	stream.indirect.gather [hbm4b:s4+s24], $0x80, s3, s24, $0xb8;
	[tilespmem:$0x1C780] =	vst v63  }
0x8c: {  	_ =	swait.ge [sflag:s30], $0x4000  }
0x8d: {  	[sflag:s30] =	ssyncset.done $0x0  }
0x8e: {  	[sflag:s30] =	ssyncadd.s32 $0xFFFFC000  }
0x8f: {  	[spmem:s1] =	stream.indirect.scatter.add.f32 [tilespmem:s26], [sflag:$0x5], $0x80, s31, s24, $0xb8;
	[tilespmem:$0x1C780] =	vst v63  }
0x90: {  	_ =	swait.ge [sflag:s20], $0x4000  }
0x91: {  	[sflag:s20] =	ssyncset.done $0x0  }
0x92: {  	[sflag:s20] =	ssyncadd.s32 $0xFFFFC000  }
0x93: {  	[spmem:s2] =	stream.indirect.scatter.add.f32 [tilespmem:s29], [sflag:$0x5], $0x1, s31, s24, $0xb8;
	[tilespmem:$0x1C780] =	vst v63  }
0x94: {  	_ =	swait.ge [sflag:s20], $0x80  }
0x95: {  	[sflag:s20] =	ssyncset.done $0x0  }
0x96: {  	s5 =	sadd.s32 $0x0, s17;
	s21 =	simm.s32 $0x40;
	[sflag:s20] =	ssyncadd.s32 $0xFFFFFF80  }
.LBB2_4:
0x97: {  	[tilespmem:s22], [sflag:$0x2] =	stream.linear.gather [hbm4b:s5+s3], $0x100, $0x38;
	[tilespmem:$0x1C780] =	vst v63  }
0x98: {  	s5 =	smov.u32 s21  }
0x99: {  	p0 =	sne.s32 s21, $0x980;
	s21 =	sadd.s32 $0x40, s21;
	_ =	swait.ge [sflag:s25], $0x100  }
0x9a: {  	[sflag:s25] =	ssyncset.done $0x0  }
0x9b: {  	[sflag:s25] =	ssyncadd.s32 $0xFFFFFF00  }
0x9c: {  	[tilespmem:s26], [sflag:$0x4] =	stream.indirect.gather [hbm4b:s4+s24], $0x80, s22, s24, $0xb8;
	[tilespmem:$0x1C780] =	vst v63  }
0x9d: {  	_ =	swait.ge [sflag:s28], $0x4000  }
0x9e: {  	[sflag:s28] =	ssyncset.done $0x0  }
0x9f: {  	[sflag:s28] =	ssyncadd.s32 $0xFFFFC000  }
0xa0: {  	[spmem:s1] =	stream.indirect.scatter.add.f32 [tilespmem:s19], [sflag:$0x5], $0x80, s24, s24, $0xb8;
	[tilespmem:$0x1C780] =	vst v63  }
0xa1: {  	_ =	swait.ge [sflag:s20], $0x4000  }
0xa2: {  	[sflag:s20] =	ssyncset.done $0x0  }
0xa3: {  	[sflag:s20] =	ssyncadd.s32 $0xFFFFC000  }
0xa4: {  	[spmem:s2] =	stream.indirect.scatter.add.f32 [tilespmem:s29], [sflag:$0x5], $0x1, s24, s24, $0xb8;
	[tilespmem:$0x1C780] =	vst v63  }
0xa5: {  	_ =	swait.ge [sflag:s20], $0x80  }
0xa6: {  	[sflag:s20] =	ssyncset.done $0x0  }
0xa7: {  	s7 =	sadd.s32 s5, s18;
	[sflag:s20] =	ssyncadd.s32 $0xFFFFFF80  }
0xa8: {  	[tilespmem:s3], [sflag:$0x1] =	stream.linear.gather [hbm4b:s7+s3], $0x100, $0x38;
	[tilespmem:$0x1C780] =	vst v63  }
0xa9: {  	_ =	swait.ge [sflag:s23], $0x100  }
0xaa: {  	[sflag:s23] =	ssyncset.done $0x0  }
0xab: {  	[sflag:s23] =	ssyncadd.s32 $0xFFFFFF00  }
0xac: {  	[tilespmem:s19], [sflag:$0x3] =	stream.indirect.gather [hbm4b:s4+s24], $0x80, s3, s24, $0xb8;
	[tilespmem:$0x1C780] =	vst v63  }
0xad: {  	_ =	swait.ge [sflag:s30], $0x4000  }
0xae: {  	[sflag:s30] =	ssyncset.done $0x0  }
0xaf: {  	[sflag:s30] =	ssyncadd.s32 $0xFFFFC000  }
0xb0: {  	[spmem:s1] =	stream.indirect.scatter.add.f32 [tilespmem:s26], [sflag:$0x5], $0x80, s31, s24, $0xb8;
	[tilespmem:$0x1C780] =	vst v63  }
0xb1: {  	_ =	swait.ge [sflag:s20], $0x4000  }
0xb2: {  	[sflag:s20] =	ssyncset.done $0x0  }
.Ltmp1:
0xb3: {  	[sflag:s20] =	ssyncadd.s32 $0xFFFFC000;
	(pc) =	sbr.rel @p0 .LBB2_4-.Ltmp1, $4  }
0xb4: {  	[spmem:s2] =	stream.indirect.scatter.add.f32 [tilespmem:s29], [sflag:$0x5], $0x1, s31, s24, $0xb8;
	[tilespmem:$0x1C780] =	vst v63  }
0xb5: {  	_ =	swait.ge [sflag:s20], $0x80  }
0xb6: {  	[sflag:s20] =	ssyncset.done $0x0  }
0xb7: {  	s5 =	sadd.s32 s5, s17;
	[sflag:s20] =	ssyncadd.s32 $0xFFFFFF80  }
0xb8: {  	[tilespmem:s22], [sflag:$0x2] =	stream.linear.gather [hbm4b:s5+s3], $0x100, $0x38;
	[tilespmem:$0x1C780] =	vst v63  }
0xb9: {  	_ =	swait.ge [sflag:s25], $0x100  }
0xba: {  	[sflag:s25] =	ssyncset.done $0x0  }
0xbb: {  	[sflag:s25] =	ssyncadd.s32 $0xFFFFFF00  }
0xbc: {  	[tilespmem:s26], [sflag:$0x4] =	stream.indirect.gather [hbm4b:s4+s24], $0x80, s22, s24, $0xb8;
	[tilespmem:$0x1C780] =	vst v63  }
0xbd: {  	_ =	swait.ge [sflag:s28], $0x4000  }
0xbe: {  	[sflag:s28] =	ssyncset.done $0x0  }
0xbf: {  	[sflag:s28] =	ssyncadd.s32 $0xFFFFC000  }
0xc0: {  	[spmem:s1] =	stream.indirect.scatter.add.f32 [tilespmem:s19], [sflag:$0x5], $0x80, s24, s24, $0xb8;
	[tilespmem:$0x1C780] =	vst v63  }
0xc1: {  	_ =	swait.ge [sflag:s20], $0x4000  }
0xc2: {  	[sflag:s20] =	ssyncset.done $0x0  }
0xc3: {  	[sflag:s20] =	ssyncadd.s32 $0xFFFFC000  }
0xc4: {  	[spmem:s2] =	stream.indirect.scatter.add.f32 [tilespmem:s29], [sflag:$0x5], $0x1, s24, s24, $0xb8;
	[tilespmem:$0x1C780] =	vst v63  }
0xc5: {  	_ =	swait.ge [sflag:s20], $0x80  }
0xc6: {  	[sflag:s20] =	ssyncset.done $0x0  }
0xc7: {  	[sflag:s20] =	ssyncadd.s32 $0xFFFFFF80  }
0xc8: {  	_ =	swait.ge [sflag:s30], $0x4000  }
0xc9: {  	[sflag:s30] =	ssyncset.done $0x0  }
0xca: {  	[sflag:s30] =	ssyncadd.s32 $0xFFFFC000  }
0xcb: {  	[spmem:s1] =	stream.indirect.scatter.add.f32 [tilespmem:s26], [sflag:$0x5], $0x80, s31, s24, $0xb8;
	[tilespmem:$0x1C780] =	vst v63  }
0xcc: {  	_ =	swait.ge [sflag:s20], $0x4000  }
0xcd: {  	[sflag:s20] =	ssyncset.done $0x0  }
0xce: {  	[sflag:s20] =	ssyncadd.s32 $0xFFFFC000  }
0xcf: {  	[spmem:s2] =	stream.indirect.scatter.add.f32 [tilespmem:s29], [sflag:$0x5], $0x1, s31, s24, $0xb8;
	[tilespmem:$0x1C780] =	vst v63  }
0xd0: {  	_ =	swait.ge [sflag:s20], $0x80  }
0xd1: {  	s7 =	stileid.u32;
	[sflag:s20] =	ssyncset.done $0x0  }
0xd2: {  	s5 =	sshll.u32 s7, $0x6;
	[sflag:s20] =	ssyncadd.s32 $0xFFFFFF80  }
0xd3: {  	s7 =	sshrl.u32 s6, $0x3;
	s5 =	sor.u32 $0x1C05, s5;
	[bflag:$0x0] =	sbarrier.arrive $0xFFFF  }
0xd4: {  	[hbm:s15], [sflag:s5] =	dma.local [spmem:s7], $0x2800  }
0xd5: {  	s0 =	sadd.s32 $0x1, s0;
	_ =	swait.ge [sflag:s20], $0x2800  }
0xd6: {  	p0 =	sne.s32 s0, s14;
	[sflag:s20] =	ssyncset.done $0x0  }
.Ltmp2:
0xd7: {  	s21 =	sshrl.u32 s11, $0x3;
	[sflag:s20] =	ssyncadd.s32 $0xFFFFD800;
	(pc) =	sbr.rel @p0 .LBB2_1-.Ltmp2, $4  }
0xd8: {  	[hbm:s16], [sflag:s5] =	dma.local [spmem:s21], $0x50  }
0xd9: {  	_ =	swait.ge [sflag:s20], $0x50  }
0xda: {  	[sflag:s20] =	ssyncset.done $0x0  }
0xdb: {  	[sflag:s20] =	ssyncadd.s32 $0xFFFFFFB0  }
0xdc: {  	_ =	sfence.sel $0x180000  }
0xdd: {  	[bflag:$0x0] =	sbarrier.arrive $0xFFFF  }
0xde: {  	_ =	strace $0x90000047  }
0xdf: {  	s0 =	stileid.u32;
	[bflag:$0x2] =	sbarrier.arrive $0xFFFF  }
0xe0: {  	p0 =	sne.s32 s0, $0x0;
	s0 =	rddreg [dreg:$0x4]  }
0xe1: {  	s0 =	sadd.s32 @!p0 $0x100000, s0  }
0xe2: {  	[sflag:s0] =	ssyncadd.tile.s32 @!p0 $0x1;
	_ =	shalt  }
.Lfunc_end2:
_tile_overlayer_lowered:
.L_overlay_start_2:
0xe3: {  	(tag) =	ssettag $0x2  }
0xe4: {  	s0 =	rddreg [dreg:$0x0];
	s2 =	stileid.u32  }
0xe5: {  	s1 =	rddreg [dreg:$0x1];
	p0 =	sne.s32 s2, $0x0  }
0xe6: {  	s3 =	rddreg [dreg:$0x2];
	[bflag:$0x3] =	sbarrier.arrive $0xFFFF;
	s2 =	simm.s32 @!p0 $0x1C05  }
0xe7: {  	[timem:s3], [sflag:s2] =	dma.local @!p0 [hbm:s0], s1  }
0xe8: {  	s0 =	simm.s32 @!p0 $0x5  }
0xe9: {  	_ =	swait.ge @!p0 [sflag:s0], s1  }
0xea: {  	s1 =	ssub.s32 @!p0 $0x0, s1;
	[sflag:s0] =	ssyncset.done @!p0 $0x0  }
0xeb: {  	[sflag:s0] =	ssyncadd.s32 @!p0 s1  }
0xec: {  	[bflag:$0x3] =	sbarrier.arrive $0xFFFF  }
0xed: {  	_ =	shalt  }

</sc_bundles>
